<compile_context>
chip_gen: v7x
topology: tpu7x:2x2x1
jax: 0.10.2.dev20260603
libtpu: 0.0.44.dev20260713+nightly
codegen_flags: <defaults>
</compile_context>

<pallas_src>
import functools

import jax
import jax.numpy as jnp
from jax import lax
from jax.experimental import pallas as pl
from jax.experimental.pallas import tpu as pltpu
from jax.experimental.pallas import tpu_sc as plsc

B, C, H, W = 16, 512, 32, 32
HW = H * W
EMBED_DIM, TEXT_DIM, NUM_TOPK = 256, 768, 100


def _density_body(feat_ref, wd_ref, bd_ref, dens_ref):
    f = feat_ref[0]
    wd = wd_ref[...]
    lg = jnp.dot(wd, f, preferred_element_type=jnp.float32) + bd_ref[...]
    dens_ref[0] = jax.nn.sigmoid(lg)


_NCHUNK = HW // 16


def _sc_mask_body(dens_hbm, mask_hbm, row_v, keys_v, mask_v,
                  acc_v, mid_v, lo_v, hi_v, need_v, red_v):
    wid = lax.axis_index("s") * 2 + lax.axis_index("c")
    zero16 = jnp.zeros((16,), jnp.int32)
    one16 = jnp.ones((16,), jnp.int32)

    @pl.when(wid < B)
    def _():
        pltpu.sync_copy(dens_hbm.at[wid], row_v)

        def bc(j, _):
            keys_v[pl.ds(j * 16, 16)] = lax.bitcast_convert_type(
                row_v[pl.ds(j * 16, 16)], jnp.int32)
            return 0
        lax.fori_loop(0, _NCHUNK, bc, 0)

        lo_v[...] = jnp.full((16,), -1, jnp.int32)
        hi_v[...] = jnp.full((16,), 2 ** 30, jnp.int32)

        def vstep(i, _):
            lo = lo_v[...]
            hi = hi_v[...]
            mid_v[...] = lo + lax.shift_right_arithmetic(hi - lo, 1)
            acc_v[...] = zero16

            def chunk(j, __):
                t = mid_v[...]
                acc_v[...] = acc_v[...] + jnp.where(
                    keys_v[pl.ds(j * 16, 16)] > t, one16, zero16)
                return 0
            lax.fori_loop(0, _NCHUNK, chunk, 0)

            red_v[pl.ds(0, 16)] = acc_v[...]
            red_v[pl.ds(16, 16)] = acc_v[...]
            for s in (8, 4, 2, 1):
                cur = red_v[pl.ds(0, 16)]
                rot = red_v[pl.ds(s, 16)]
                nxt = cur + rot
                red_v[pl.ds(0, 16)] = nxt
                red_v[pl.ds(16, 16)] = nxt
            cnt = red_v[pl.ds(0, 16)]
            k_count = jnp.full((16,), NUM_TOPK, jnp.int32)
            pred = cnt < k_count
            mid = mid_v[...]
            lo_v[...] = jnp.where(pred, lo, mid)
            hi_v[...] = jnp.where(pred, mid, hi)
            return 0
        lax.fori_loop(0, 31, vstep, 0)
        mid_v[...] = hi_v[...]

        acc_v[...] = zero16

        def ngt(j, __):
            t = mid_v[...]
            acc_v[...] = acc_v[...] + jnp.where(
                keys_v[pl.ds(j * 16, 16)] > t, one16, zero16)
            return 0
        lax.fori_loop(0, _NCHUNK, ngt, 0)
        red_v[pl.ds(0, 16)] = acc_v[...]
        red_v[pl.ds(16, 16)] = acc_v[...]
        for s in (8, 4, 2, 1):
            nxt = red_v[pl.ds(0, 16)] + red_v[pl.ds(s, 16)]
            red_v[pl.ds(0, 16)] = nxt
            red_v[pl.ds(16, 16)] = nxt
        need_v[...] = jnp.full((16,), NUM_TOPK, jnp.int32) - red_v[pl.ds(0, 16)]

        acc_v[...] = zero16

        def w(j, _):
            k = keys_v[pl.ds(j * 16, 16)]
            t = mid_v[...]
            need = need_v[...]
            eq = k == t
            e = jnp.where(eq, one16, zero16)
            p = e
            for s in (1, 2, 4, 8):
                red_v[pl.ds(0, 16)] = zero16
                red_v[pl.ds(s, 16)] = p
                p = p + red_v[pl.ds(0, 16)]
            pin = p + acc_v[...]
            m = jnp.logical_or(k > t, jnp.logical_and(eq, pin <= need))
            mask_v[pl.ds(j * 16, 16)] = jnp.where(m, 1.0, 0.0)
            red_v[pl.ds(0, 16)] = pin
            red_v[pl.ds(16, 16)] = pin
            for s in (8, 4, 2, 1):
                nxt = jnp.maximum(red_v[pl.ds(0, 16)], red_v[pl.ds(s, 16)])
                red_v[pl.ds(0, 16)] = nxt
                red_v[pl.ds(16, 16)] = nxt
            acc_v[...] = red_v[pl.ds(0, 16)]
            return 0
        lax.fori_loop(0, _NCHUNK, w, 0)
        pltpu.sync_copy(mask_v, mask_hbm.at[wid])


def _sc_mask(density):
    mesh = plsc.VectorSubcoreMesh(core_axis_name="c", subcore_axis_name="s")
    return pl.kernel(
        _sc_mask_body,
        out_type=jax.ShapeDtypeStruct((B, HW), jnp.float32),
        mesh=mesh,
        scratch_types=[
            pltpu.VMEM((HW,), jnp.float32),
            pltpu.VMEM((HW,), jnp.int32),
            pltpu.VMEM((HW,), jnp.float32),
            pltpu.VMEM((16,), jnp.int32),
            pltpu.VMEM((16,), jnp.int32),
            pltpu.VMEM((16,), jnp.int32),
            pltpu.VMEM((16,), jnp.int32),
            pltpu.VMEM((16,), jnp.int32),
            pltpu.VMEM((32,), jnp.int32),
        ],
    )(density)


def _fusion_body(feat_ref, mask_ref, wsp_ref, wout_ref, wtext_ref, temb_ref,
                 bsp_ref, btext_ref, bout_ref, out_ref):
    f = feat_ref[0]
    m = mask_ref[0]
    tcol = (jnp.dot(wtext_ref[...], temb_ref[...],
                    preferred_element_type=jnp.float32)
            + btext_ref[...] + bsp_ref[...])
    z1 = jnp.dot(wsp_ref[...].astype(jnp.bfloat16), f.astype(jnp.bfloat16),
                 preferred_element_type=jnp.float32) + tcol
    z2 = jnp.dot(wout_ref[...].astype(jnp.bfloat16), z1.astype(jnp.bfloat16),
                 preferred_element_type=jnp.float32) + bout_ref[...]
    out_ref[0] = jnp.where(m > 0.0, z2, f)


@functools.partial(jax.jit, static_argnames=())
def kernel(feat, text_emb, Wd, bd, W_sp, b_sp, W_text, b_text, W_out, b_out):
    b, c, h, w = feat.shape
    feat3 = feat.reshape(b, c, h * w)

    density = pl.pallas_call(
        _density_body,
        grid=(b,),
        in_specs=[
            pl.BlockSpec((1, c, h * w), lambda i: (i, 0, 0)),
            pl.BlockSpec((1, c), lambda i: (0, 0)),
            pl.BlockSpec((1, 1), lambda i: (0, 0)),
        ],
        out_specs=pl.BlockSpec((1, 1, h * w), lambda i: (i, 0, 0)),
        out_shape=jax.ShapeDtypeStruct((b, 1, h * w), jnp.float32),
        compiler_params=pltpu.CompilerParams(
            dimension_semantics=("arbitrary",)),
    )(feat3, Wd.reshape(1, c), bd.reshape(1, 1))

    mask = _sc_mask(density.reshape(b, h * w))

    out = pl.pallas_call(
        _fusion_body,
        grid=(b,),
        in_specs=[
            pl.BlockSpec((1, c, h * w), lambda i: (i, 0, 0)),
            pl.BlockSpec((1, 1, h * w), lambda i: (i, 0, 0)),
            pl.BlockSpec((EMBED_DIM, c), lambda i: (0, 0)),
            pl.BlockSpec((c, EMBED_DIM), lambda i: (0, 0)),
            pl.BlockSpec((EMBED_DIM, TEXT_DIM), lambda i: (0, 0)),
            pl.BlockSpec((TEXT_DIM, 1), lambda i: (0, 0)),
            pl.BlockSpec((EMBED_DIM, 1), lambda i: (0, 0)),
            pl.BlockSpec((EMBED_DIM, 1), lambda i: (0, 0)),
            pl.BlockSpec((c, 1), lambda i: (0, 0)),
        ],
        out_specs=pl.BlockSpec((1, c, h * w), lambda i: (i, 0, 0)),
        out_shape=jax.ShapeDtypeStruct((b, c, h * w), jnp.float32),
        compiler_params=pltpu.CompilerParams(
            dimension_semantics=("arbitrary",)),
    )(feat3, mask.reshape(b, 1, h * w), W_sp, W_out, W_text,
      text_emb.reshape(TEXT_DIM, 1), b_sp.reshape(EMBED_DIM, 1),
      b_text.reshape(EMBED_DIM, 1), b_out.reshape(c, 1))

    return out.reshape(b, c, h, w)

# --- scband reference (transcript-rebuilt; emitter-appended) ---
"""Pipeline reference for scband-sparse-text-fusion-31009663877485 (READ-ONLY COPY).

The authoritative reference and input builder live on the scoring server;
editing this copy changes nothing except your own understanding.
"""

import jax, jax.numpy as jnp
import numpy as np

B, C, H, W = 16, 512, 32, 32
EMBED_DIM, TEXT_DIM, NUM_TOPK = 256, 768, 100


def setup_inputs(seed: int = 0) -> dict:
    key = jax.random.key(seed)
    ks = jax.random.split(key, 8)
    inp = {}
    inp["feat"] = jax.random.normal(ks[0], (B, C, H, W), dtype=jnp.float32)
    inp["text_emb"] = jax.random.normal(ks[1], (TEXT_DIM,), dtype=jnp.float32)
    # DensityModule approximated as a 1x1 conv (C -> 1) + sigmoid
    inp["Wd"] = jax.random.normal(ks[2], (C,), dtype=jnp.float32) * 0.02
    inp["bd"] = jnp.zeros((), dtype=jnp.float32)
    inp["W_sp"] = jax.random.normal(ks[3], (EMBED_DIM, C), dtype=jnp.float32) * 0.02
    inp["b_sp"] = jnp.zeros((EMBED_DIM,), dtype=jnp.float32)
    inp["W_text"] = jax.random.normal(ks[4], (EMBED_DIM, TEXT_DIM), dtype=jnp.float32) * 0.02
    inp["b_text"] = jnp.zeros((EMBED_DIM,), dtype=jnp.float32)
    inp["W_out"] = jax.random.normal(ks[5], (C, EMBED_DIM), dtype=jnp.float32) * 0.02
    inp["b_out"] = jnp.zeros((C,), dtype=jnp.float32)
    return inp


def reference(feat, text_emb, Wd, bd, W_sp, b_sp, W_text, b_text, W_out, b_out):
    b, c, h, w = feat.shape
    # density module: 1x1 conv to 1 channel + sigmoid
    density = jnp.einsum('bchw,c->bhw', feat, Wd) + bd
    density = jax.nn.sigmoid(density).reshape(b, -1)  # (B, H*W)
    topk_vals, topk_idx = jax.lax.top_k(density, NUM_TOPK)  # (B, K)
    feat_flat = feat.reshape(b, c, -1).transpose(0, 2, 1)  # (B, HW, C)
    sparse_feat = jnp.take_along_axis(feat_flat, topk_idx[:, :, None], axis=1)  # (B, K, C)
    text_feat = text_emb.reshape(1, 1, -1) @ W_text.T + b_text  # (1, 1, E)
    text_feat = jnp.broadcast_to(text_feat, (b, NUM_TOPK, EMBED_DIM))
    fused_sparse = sparse_feat @ W_sp.T + b_sp + text_feat  # (B, K, E)
    fused_sparse = fused_sparse @ W_out.T + b_out  # (B, K, C)
    tensor_flat = feat_flat.at[jnp.arange(b)[:, None], topk_idx].set(fused_sparse)
    feat_new = tensor_flat.transpose(0, 2, 1).reshape(b, c, h, w)
    return feat_new

if __name__ == "__main__":
    import jax
    _d = setup_inputs()
    print(jax.jit(kernel)(*tuple(_d.values())))

</pallas_src>

<mosaic_0001>
#map = affine_map<(d0, d1) -> (0, 0)>
module attributes {stable_mosaic.version = 14 : i64} {
  func.func @_sc_mask_body(%arg0: i32, %arg1: i32, %arg2: memref<16x1024xf32, #tpu.memory_space<hbm>>, %arg3: memref<16x1024xf32, #tpu.memory_space<hbm>>, %arg4: memref<1024xf32, #tpu.memory_space<vmem>>, %arg5: memref<1024xi32, #tpu.memory_space<vmem>>, %arg6: memref<1024xf32, #tpu.memory_space<vmem>>, %arg7: memref<16xi32, #tpu.memory_space<vmem>>, %arg8: memref<16xi32, #tpu.memory_space<vmem>>, %arg9: memref<16xi32, #tpu.memory_space<vmem>>, %arg10: memref<16xi32, #tpu.memory_space<vmem>>, %arg11: memref<16xi32, #tpu.memory_space<vmem>>, %arg12: memref<32xi32, #tpu.memory_space<vmem>>) attributes {dimension_semantics = [#tpu.dimension_semantics<core_parallel>, #tpu.dimension_semantics<subcore_parallel>], iteration_bounds = array<i64: 2, 16>, scalar_prefetch = 0 : i64, scratch_operands = 9 : i64, tpu.core_type = #tpu.core_type<sc_vector_subcore>, window_params = [{transform_indices = #map}, {transform_indices = #map}]} {
    %mul3A = arith.constant 2 : i32
    %mul3A_0 = arith.muli %arg1, %mul3A : i32
    %add3A = arith.addi %mul3A_0, %arg0 : i32
    %broadcast_in_dim3A = arith.constant 0 : i32
    %broadcast_in_dim3A_1 = vector.broadcast %broadcast_in_dim3A : i32 to vector<16xi32>
    %broadcast_in_dim3A_2 = arith.constant 1 : i32
    %broadcast_in_dim3A_3 = vector.broadcast %broadcast_in_dim3A_2 : i32 to vector<16xi32>
    %lt3A = arith.constant 16 : i32
    %lt3A_4 = arith.cmpi slt, %add3A, %lt3A : i32
    %convert_element_type3A = arith.extui %lt3A_4 : i1 to i32
    %cond3A = arith.constant 0 : i32
    %cond3A_5 = arith.cmpi ne, %convert_element_type3A, %cond3A : i32
    scf.if %cond3A_5 {
      "tpu.region"() ({
        %run_scoped3A = tpu.sem_alloc : memref<!tpu.dma_semaphore, #tpu.memory_space<semaphore_mem>>
        %dma_start3A = arith.constant 0 : i32
        %dma_start3A_141 = tpu.memref_slice %arg2[%add3A, %dma_start3A] : memref<16x1024xf32, #tpu.memory_space<hbm>> -> memref<1x1024xf32, #tpu.memory_space<hbm>>
        %dma_start3A_142 = tpu.memref_squeeze %dma_start3A_141 : memref<1x1024xf32, #tpu.memory_space<hbm>> -> memref<1024xf32, #tpu.memory_space<hbm>>
        %dma_start3A_143 = arith.constant 0 : i32
        %dma_start3A_144 = tpu.memref_slice %arg2[%add3A, %dma_start3A_143] : memref<16x1024xf32, #tpu.memory_space<hbm>> -> memref<1x1024xf32, #tpu.memory_space<hbm>>
        %dma_start3A_145 = tpu.memref_squeeze %dma_start3A_144 : memref<1x1024xf32, #tpu.memory_space<hbm>> -> memref<1024xf32, #tpu.memory_space<hbm>>
        tpu.enqueue_dma source(%dma_start3A_145 : memref<1024xf32, #tpu.memory_space<hbm>>) target(%arg4 : memref<1024xf32, #tpu.memory_space<vmem>>) target_semaphore(%run_scoped3A : memref<!tpu.dma_semaphore, #tpu.memory_space<semaphore_mem>>)
        %dma_wait3A = arith.constant 0 : i32
        %dma_wait3A_146 = tpu.memref_slice %arg2[%add3A, %dma_wait3A] : memref<16x1024xf32, #tpu.memory_space<hbm>> -> memref<1x1024xf32, #tpu.memory_space<hbm>>
        %dma_wait3A_147 = tpu.memref_squeeze %dma_wait3A_146 : memref<1x1024xf32, #tpu.memory_space<hbm>> -> memref<1024xf32, #tpu.memory_space<hbm>>
        %dma_wait3A_148 = arith.constant 0 : i32
        %dma_wait3A_149 = tpu.memref_slice %arg2[%add3A, %dma_wait3A_148] : memref<16x1024xf32, #tpu.memory_space<hbm>> -> memref<1x1024xf32, #tpu.memory_space<hbm>>
        %dma_wait3A_150 = tpu.memref_squeeze %dma_wait3A_149 : memref<1x1024xf32, #tpu.memory_space<hbm>> -> memref<1024xf32, #tpu.memory_space<hbm>>
        tpu.wait_dma2 semaphore(%run_scoped3A : memref<!tpu.dma_semaphore, #tpu.memory_space<semaphore_mem>>) src(%dma_wait3A_150 : memref<1024xf32, #tpu.memory_space<hbm>>) dst(%arg4 : memref<1024xf32, #tpu.memory_space<vmem>>)
        tpu.yield
      }) : () -> ()
      %scan3A = arith.constant 0 : i32
      %scan3A_6 = arith.constant 0 : i32
      %scan3A_7 = arith.constant 64 : i32
      %scan3A_8 = arith.addi %scan3A_6, %scan3A_7 : i32
      %scan3A_9 = arith.constant 1 : i32
      %scan3A_10 = scf.for %scan3A_141 = %scan3A_6 to %scan3A_8 step %scan3A_9 iter_args(%scan3A_142 = %scan3A) -> (i32)  : i32 {
        %mul3A_143 = arith.constant 16 : i32
        %mul3A_144 = arith.muli %scan3A_141, %mul3A_143 : i32
        %get3A_145 = arith.index_cast %mul3A_144 : i32 to index
        %get3A_146 = tpu.vector_load %arg4[%get3A_145] {strides = array<i32>} : memref<1024xf32, #tpu.memory_space<vmem>>, vector<16xf32>,
        %get3A_147 = vector.shape_cast %get3A_146 : vector<16xf32> to vector<16xf32>
        %bitcast_convert_type3A = tpu.bitcast %get3A_147 : vector<16xf32> -> vector<16xi32>
        %mul3A_148 = arith.constant 16 : i32
        %mul3A_149 = arith.muli %scan3A_141, %mul3A_148 : i32
        %swap3A_150 = arith.index_cast %mul3A_149 : i32 to index
        %swap3A_151 = tpu.vector_load %arg5[%swap3A_150] {strides = array<i32>} : memref<1024xi32, #tpu.memory_space<vmem>>, vector<16xi32>,
        %swap3A_152 = vector.shape_cast %swap3A_151 : vector<16xi32> to vector<16xi32>
        %swap3A_153 = vector.shape_cast %bitcast_convert_type3A : vector<16xi32> to vector<16xi32>
        tpu.vector_store %arg5[%swap3A_150], %swap3A_153 {strides = array<i32>} : memref<1024xi32, #tpu.memory_space<vmem>>, vector<16xi32>,
        %scan3A_154 = arith.constant 0 : i32
        scf.yield %scan3A_154 : i32
      }
      %scan3A_11 = arith.constant 64 : i32
      %broadcast_in_dim3A_12 = arith.constant -1 : i32
      %broadcast_in_dim3A_13 = vector.broadcast %broadcast_in_dim3A_12 : i32 to vector<16xi32>
      %swap3A = arith.constant 0 : index
      %swap3A_14 = tpu.vector_load %arg9[%swap3A] {strides = array<i32>} : memref<16xi32, #tpu.memory_space<vmem>>, vector<16xi32>,
      %swap3A_15 = vector.shape_cast %swap3A_14 : vector<16xi32> to vector<16xi32>
      %swap3A_16 = vector.shape_cast %broadcast_in_dim3A_13 : vector<16xi32> to vector<16xi32>
      tpu.vector_store %arg9[%swap3A], %swap3A_16 {strides = array<i32>} : memref<16xi32, #tpu.memory_space<vmem>>, vector<16xi32>,
      %broadcast_in_dim3A_17 = arith.constant 1073741824 : i32
      %broadcast_in_dim3A_18 = vector.broadcast %broadcast_in_dim3A_17 : i32 to vector<16xi32>
      %swap3A_19 = arith.constant 0 : index
      %swap3A_20 = tpu.vector_load %arg10[%swap3A_19] {strides = array<i32>} : memref<16xi32, #tpu.memory_space<vmem>>, vector<16xi32>,
      %swap3A_21 = vector.shape_cast %swap3A_20 : vector<16xi32> to vector<16xi32>
      %swap3A_22 = vector.shape_cast %broadcast_in_dim3A_18 : vector<16xi32> to vector<16xi32>
      tpu.vector_store %arg10[%swap3A_19], %swap3A_22 {strides = array<i32>} : memref<16xi32, #tpu.memory_space<vmem>>, vector<16xi32>,
      %scan3A_23 = arith.constant 0 : i32
      %scan3A_24 = arith.constant 0 : i32
      %scan3A_25 = arith.constant 31 : i32
      %scan3A_26 = arith.addi %scan3A_24, %scan3A_25 : i32
      %scan3A_27 = arith.constant 1 : i32
      %scan3A_28 = scf.for %scan3A_141 = %scan3A_24 to %scan3A_26 step %scan3A_27 iter_args(%scan3A_142 = %scan3A_23) -> (i32)  : i32 {
        %get3A_143 = arith.constant 0 : index
        %get3A_144 = tpu.vector_load %arg9[%get3A_143] {strides = array<i32>} : memref<16xi32, #tpu.memory_space<vmem>>, vector<16xi32>,
        %get3A_145 = vector.shape_cast %get3A_144 : vector<16xi32> to vector<16xi32>
        %get3A_146 = arith.constant 0 : index
        %get3A_147 = tpu.vector_load %arg10[%get3A_146] {strides = array<i32>} : memref<16xi32, #tpu.memory_space<vmem>>, vector<16xi32>,
        %get3A_148 = vector.shape_cast %get3A_147 : vector<16xi32> to vector<16xi32>
        %sub3A_149 = arith.subi %get3A_148, %get3A_145 : vector<16xi32>
        %shift_right_arithmetic3A = arith.constant 1 : i32
        %shift_right_arithmetic3A_150 = vector.broadcast %shift_right_arithmetic3A : i32 to vector<16xi32>
        %shift_right_arithmetic3A_151 = arith.shrsi %sub3A_149, %shift_right_arithmetic3A_150 : vector<16xi32>
        %add3A_152 = arith.addi %get3A_145, %shift_right_arithmetic3A_151 : vector<16xi32>
        %swap3A_153 = arith.constant 0 : index
        %swap3A_154 = tpu.vector_load %arg8[%swap3A_153] {strides = array<i32>} : memref<16xi32, #tpu.memory_space<vmem>>, vector<16xi32>,
        %swap3A_155 = vector.shape_cast %swap3A_154 : vector<16xi32> to vector<16xi32>
        %swap3A_156 = vector.shape_cast %add3A_152 : vector<16xi32> to vector<16xi32>
        tpu.vector_store %arg8[%swap3A_153], %swap3A_156 {strides = array<i32>} : memref<16xi32, #tpu.memory_space<vmem>>, vector<16xi32>,
        %swap3A_157 = arith.constant 0 : index
        %swap3A_158 = tpu.vector_load %arg7[%swap3A_157] {strides = array<i32>} : memref<16xi32, #tpu.memory_space<vmem>>, vector<16xi32>,
        %swap3A_159 = vector.shape_cast %swap3A_158 : vector<16xi32> to vector<16xi32>
        %swap3A_160 = vector.shape_cast %broadcast_in_dim3A_1 : vector<16xi32> to vector<16xi32>
        tpu.vector_store %arg7[%swap3A_157], %swap3A_160 {strides = array<i32>} : memref<16xi32, #tpu.memory_space<vmem>>, vector<16xi32>,
        %scan3A_161 = arith.constant 0 : i32
        %scan3A_162 = arith.constant 0 : i32
        %scan3A_163 = arith.constant 64 : i32
        %scan3A_164 = arith.addi %scan3A_162, %scan3A_163 : i32
        %scan3A_165 = arith.constant 1 : i32
        %scan3A_166 = scf.for %scan3A_261 = %scan3A_162 to %scan3A_164 step %scan3A_165 iter_args(%scan3A_262 = %scan3A_161) -> (i32)  : i32 {
          %get3A_263 = arith.constant 0 : index
          %get3A_264 = tpu.vector_load %arg8[%get3A_263] {strides = array<i32>} : memref<16xi32, #tpu.memory_space<vmem>>, vector<16xi32>,
          %get3A_265 = vector.shape_cast %get3A_264 : vector<16xi32> to vector<16xi32>
          %get3A_266 = arith.constant 0 : index
          %get3A_267 = tpu.vector_load %arg7[%get3A_266] {strides = array<i32>} : memref<16xi32, #tpu.memory_space<vmem>>, vector<16xi32>,
          %get3A_268 = vector.shape_cast %get3A_267 : vector<16xi32> to vector<16xi32>
          %mul3A_269 = arith.constant 16 : i32
          %mul3A_270 = arith.muli %scan3A_261, %mul3A_269 : i32
          %get3A_271 = arith.index_cast %mul3A_270 : i32 to index
          %get3A_272 = tpu.vector_load %arg5[%get3A_271] {strides = array<i32>} : memref<1024xi32, #tpu.memory_space<vmem>>, vector<16xi32>,
          %get3A_273 = vector.shape_cast %get3A_272 : vector<16xi32> to vector<16xi32>
          %gt3A = arith.cmpi sgt, %get3A_273, %get3A_265 : vector<16xi32>
          %select_n3A_274 = arith.select %gt3A, %broadcast_in_dim3A_3, %broadcast_in_dim3A_1 : vector<16xi1>, vector<16xi32>
          %add3A_275 = arith.addi %get3A_268, %select_n3A_274 : vector<16xi32>
          %swap3A_276 = arith.constant 0 : index
          %swap3A_277 = tpu.vector_load %arg7[%swap3A_276] {strides = array<i32>} : memref<16xi32, #tpu.memory_space<vmem>>, vector<16xi32>,
          %swap3A_278 = vector.shape_cast %swap3A_277 : vector<16xi32> to vector<16xi32>
          %swap3A_279 = vector.shape_cast %add3A_275 : vector<16xi32> to vector<16xi32>
          tpu.vector_store %arg7[%swap3A_276], %swap3A_279 {strides = array<i32>} : memref<16xi32, #tpu.memory_space<vmem>>, vector<16xi32>,
          %scan3A_280 = arith.constant 0 : i32
          scf.yield %scan3A_280 : i32
        }
        %scan3A_167 = arith.constant 64 : i32
        %get3A_168 = arith.constant 0 : index
        %get3A_169 = tpu.vector_load %arg7[%get3A_168] {strides = array<i32>} : memref<16xi32, #tpu.memory_space<vmem>>, vector<16xi32>,
        %get3A_170 = vector.shape_cast %get3A_169 : vector<16xi32> to vector<16xi32>
        %swap3A_171 = arith.constant 0 : index
        %swap3A_172 = tpu.vector_load %arg12[%swap3A_171] {strides = array<i32>} : memref<32xi32, #tpu.memory_space<vmem>>, vector<16xi32>,
        %swap3A_173 = vector.shape_cast %swap3A_172 : vector<16xi32> to vector<16xi32>
        %swap3A_174 = vector.shape_cast %get3A_170 : vector<16xi32> to vector<16xi32>
        tpu.vector_store %arg12[%swap3A_171], %swap3A_174 {strides = array<i32>} : memref<32xi32, #tpu.memory_space<vmem>>, vector<16xi32>,
        %get3A_175 = arith.constant 0 : index
        %get3A_176 = tpu.vector_load %arg7[%get3A_175] {strides = array<i32>} : memref<16xi32, #tpu.memory_space<vmem>>, vector<16xi32>,
        %get3A_177 = vector.shape_cast %get3A_176 : vector<16xi32> to vector<16xi32>
        %swap3A_178 = arith.constant 16 : index
        %swap3A_179 = tpu.vector_load %arg12[%swap3A_178] {strides = array<i32>} : memref<32xi32, #tpu.memory_space<vmem>>, vector<16xi32>,
        %swap3A_180 = vector.shape_cast %swap3A_179 : vector<16xi32> to vector<16xi32>
        %swap3A_181 = vector.shape_cast %get3A_177 : vector<16xi32> to vector<16xi32>
        tpu.vector_store %arg12[%swap3A_178], %swap3A_181 {strides = array<i32>} : memref<32xi32, #tpu.memory_space<vmem>>, vector<16xi32>,
        %get3A_182 = arith.constant 0 : index
        %get3A_183 = tpu.vector_load %arg12[%get3A_182] {strides = array<i32>} : memref<32xi32, #tpu.memory_space<vmem>>, vector<16xi32>,
        %get3A_184 = vector.shape_cast %get3A_183 : vector<16xi32> to vector<16xi32>
        %get3A_185 = arith.constant 8 : index
        %get3A_186 = tpu.vector_load %arg12[%get3A_185] {strides = array<i32>} : memref<32xi32, #tpu.memory_space<vmem>>, vector<16xi32>,
        %get3A_187 = vector.shape_cast %get3A_186 : vector<16xi32> to vector<16xi32>
        %add3A_188 = arith.addi %get3A_184, %get3A_187 : vector<16xi32>
        %swap3A_189 = arith.constant 0 : index
        %swap3A_190 = tpu.vector_load %arg12[%swap3A_189] {strides = array<i32>} : memref<32xi32, #tpu.memory_space<vmem>>, vector<16xi32>,
        %swap3A_191 = vector.shape_cast %swap3A_190 : vector<16xi32> to vector<16xi32>
        %swap3A_192 = vector.shape_cast %add3A_188 : vector<16xi32> to vector<16xi32>
        tpu.vector_store %arg12[%swap3A_189], %swap3A_192 {strides = array<i32>} : memref<32xi32, #tpu.memory_space<vmem>>, vector<16xi32>,
        %swap3A_193 = arith.constant 16 : index
        %swap3A_194 = tpu.vector_load %arg12[%swap3A_193] {strides = array<i32>} : memref<32xi32, #tpu.memory_space<vmem>>, vector<16xi32>,
        %swap3A_195 = vector.shape_cast %swap3A_194 : vector<16xi32> to vector<16xi32>
        %swap3A_196 = vector.shape_cast %add3A_188 : vector<16xi32> to vector<16xi32>
        tpu.vector_store %arg12[%swap3A_193], %swap3A_196 {strides = array<i32>} : memref<32xi32, #tpu.memory_space<vmem>>, vector<16xi32>,
        %get3A_197 = arith.constant 0 : index
        %get3A_198 = tpu.vector_load %arg12[%get3A_197] {strides = array<i32>} : memref<32xi32, #tpu.memory_space<vmem>>, vector<16xi32>,
        %get3A_199 = vector.shape_cast %get3A_198 : vector<16xi32> to vector<16xi32>
        %get3A_200 = arith.constant 4 : index
        %get3A_201 = tpu.vector_load %arg12[%get3A_200] {strides = array<i32>} : memref<32xi32, #tpu.memory_space<vmem>>, vector<16xi32>,
        %get3A_202 = vector.shape_cast %get3A_201 : vector<16xi32> to vector<16xi32>
        %add3A_203 = arith.addi %get3A_199, %get3A_202 : vector<16xi32>
        %swap3A_204 = arith.constant 0 : index
        %swap3A_205 = tpu.vector_load %arg12[%swap3A_204] {strides = array<i32>} : memref<32xi32, #tpu.memory_space<vmem>>, vector<16xi32>,
        %swap3A_206 = vector.shape_cast %swap3A_205 : vector<16xi32> to vector<16xi32>
        %swap3A_207 = vector.shape_cast %add3A_203 : vector<16xi32> to vector<16xi32>
        tpu.vector_store %arg12[%swap3A_204], %swap3A_207 {strides = array<i32>} : memref<32xi32, #tpu.memory_space<vmem>>, vector<16xi32>,
        %swap3A_208 = arith.constant 16 : index
        %swap3A_209 = tpu.vector_load %arg12[%swap3A_208] {strides = array<i32>} : memref<32xi32, #tpu.memory_space<vmem>>, vector<16xi32>,
        %swap3A_210 = vector.shape_cast %swap3A_209 : vector<16xi32> to vector<16xi32>
        %swap3A_211 = vector.shape_cast %add3A_203 : vector<16xi32> to vector<16xi32>
        tpu.vector_store %arg12[%swap3A_208], %swap3A_211 {strides = array<i32>} : memref<32xi32, #tpu.memory_space<vmem>>, vector<16xi32>,
        %get3A_212 = arith.constant 0 : index
        %get3A_213 = tpu.vector_load %arg12[%get3A_212] {strides = array<i32>} : memref<32xi32, #tpu.memory_space<vmem>>, vector<16xi32>,
        %get3A_214 = vector.shape_cast %get3A_213 : vector<16xi32> to vector<16xi32>
        %get3A_215 = arith.constant 2 : index
        %get3A_216 = tpu.vector_load %arg12[%get3A_215] {strides = array<i32>} : memref<32xi32, #tpu.memory_space<vmem>>, vector<16xi32>,
        %get3A_217 = vector.shape_cast %get3A_216 : vector<16xi32> to vector<16xi32>
        %add3A_218 = arith.addi %get3A_214, %get3A_217 : vector<16xi32>
        %swap3A_219 = arith.constant 0 : index
        %swap3A_220 = tpu.vector_load %arg12[%swap3A_219] {strides = array<i32>} : memref<32xi32, #tpu.memory_space<vmem>>, vector<16xi32>,
        %swap3A_221 = vector.shape_cast %swap3A_220 : vector<16xi32> to vector<16xi32>
        %swap3A_222 = vector.shape_cast %add3A_218 : vector<16xi32> to vector<16xi32>
        tpu.vector_store %arg12[%swap3A_219], %swap3A_222 {strides = array<i32>} : memref<32xi32, #tpu.memory_space<vmem>>, vector<16xi32>,
        %swap3A_223 = arith.constant 16 : index
        %swap3A_224 = tpu.vector_load %arg12[%swap3A_223] {strides = array<i32>} : memref<32xi32, #tpu.memory_space<vmem>>, vector<16xi32>,
        %swap3A_225 = vector.shape_cast %swap3A_224 : vector<16xi32> to vector<16xi32>
        %swap3A_226 = vector.shape_cast %add3A_218 : vector<16xi32> to vector<16xi32>
        tpu.vector_store %arg12[%swap3A_223], %swap3A_226 {strides = array<i32>} : memref<32xi32, #tpu.memory_space<vmem>>, vector<16xi32>,
        %get3A_227 = arith.constant 0 : index
        %get3A_228 = tpu.vector_load %arg12[%get3A_227] {strides = array<i32>} : memref<32xi32, #tpu.memory_space<vmem>>, vector<16xi32>,
        %get3A_229 = vector.shape_cast %get3A_228 : vector<16xi32> to vector<16xi32>
        %get3A_230 = arith.constant 1 : index
        %get3A_231 = tpu.vector_load %arg12[%get3A_230] {strides = array<i32>} : memref<32xi32, #tpu.memory_space<vmem>>, vector<16xi32>,
        %get3A_232 = vector.shape_cast %get3A_231 : vector<16xi32> to vector<16xi32>
        %add3A_233 = arith.addi %get3A_229, %get3A_232 : vector<16xi32>
        %swap3A_234 = arith.constant 0 : index
        %swap3A_235 = tpu.vector_load %arg12[%swap3A_234] {strides = array<i32>} : memref<32xi32, #tpu.memory_space<vmem>>, vector<16xi32>,
        %swap3A_236 = vector.shape_cast %swap3A_235 : vector<16xi32> to vector<16xi32>
        %swap3A_237 = vector.shape_cast %add3A_233 : vector<16xi32> to vector<16xi32>
        tpu.vector_store %arg12[%swap3A_234], %swap3A_237 {strides = array<i32>} : memref<32xi32, #tpu.memory_space<vmem>>, vector<16xi32>,
        %swap3A_238 = arith.constant 16 : index
        %swap3A_239 = tpu.vector_load %arg12[%swap3A_238] {strides = array<i32>} : memref<32xi32, #tpu.memory_space<vmem>>, vector<16xi32>,
        %swap3A_240 = vector.shape_cast %swap3A_239 : vector<16xi32> to vector<16xi32>
        %swap3A_241 = vector.shape_cast %add3A_233 : vector<16xi32> to vector<16xi32>
        tpu.vector_store %arg12[%swap3A_238], %swap3A_241 {strides = array<i32>} : memref<32xi32, #tpu.memory_space<vmem>>, vector<16xi32>,
        %get3A_242 = arith.constant 0 : index
        %get3A_243 = tpu.vector_load %arg12[%get3A_242] {strides = array<i32>} : memref<32xi32, #tpu.memory_space<vmem>>, vector<16xi32>,
        %get3A_244 = vector.shape_cast %get3A_243 : vector<16xi32> to vector<16xi32>
        %broadcast_in_dim3A_245 = arith.constant 100 : i32
        %broadcast_in_dim3A_246 = vector.broadcast %broadcast_in_dim3A_245 : i32 to vector<16xi32>
        %lt3A_247 = arith.cmpi slt, %get3A_244, %broadcast_in_dim3A_246 : vector<16xi32>
        %get3A_248 = arith.constant 0 : index
        %get3A_249 = tpu.vector_load %arg8[%get3A_248] {strides = array<i32>} : memref<16xi32, #tpu.memory_space<vmem>>, vector<16xi32>,
        %get3A_250 = vector.shape_cast %get3A_249 : vector<16xi32> to vector<16xi32>
        %select_n3A = arith.select %lt3A_247, %get3A_145, %get3A_250 : vector<16xi1>, vector<16xi32>
        %swap3A_251 = arith.constant 0 : index
        %swap3A_252 = tpu.vector_load %arg9[%swap3A_251] {strides = array<i32>} : memref<16xi32, #tpu.memory_space<vmem>>, vector<16xi32>,
        %swap3A_253 = vector.shape_cast %swap3A_252 : vector<16xi32> to vector<16xi32>
        %swap3A_254 = vector.shape_cast %select_n3A : vector<16xi32> to vector<16xi32>
        tpu.vector_store %arg9[%swap3A_251], %swap3A_254 {strides = array<i32>} : memref<16xi32, #tpu.memory_space<vmem>>, vector<16xi32>,
        %select_n3A_255 = arith.select %lt3A_247, %get3A_250, %get3A_148 : vector<16xi1>, vector<16xi32>
        %swap3A_256 = arith.constant 0 : index
        %swap3A_257 = tpu.vector_load %arg10[%swap3A_256] {strides = array<i32>} : memref<16xi32, #tpu.memory_space<vmem>>, vector<16xi32>,
        %swap3A_258 = vector.shape_cast %swap3A_257 : vector<16xi32> to vector<16xi32>
        %swap3A_259 = vector.shape_cast %select_n3A_255 : vector<16xi32> to vector<16xi32>
        tpu.vector_store %arg10[%swap3A_256], %swap3A_259 {strides = array<i32>} : memref<16xi32, #tpu.memory_space<vmem>>, vector<16xi32>,
        %scan3A_260 = arith.constant 0 : i32
        scf.yield %scan3A_260 : i32
      }
      %scan3A_29 = arith.constant 31 : i32
      %get3A = arith.constant 0 : index
      %get3A_30 = tpu.vector_load %arg10[%get3A] {strides = array<i32>} : memref<16xi32, #tpu.memory_space<vmem>>, vector<16xi32>,
      %get3A_31 = vector.shape_cast %get3A_30 : vector<16xi32> to vector<16xi32>
      %swap3A_32 = arith.constant 0 : index
      %swap3A_33 = tpu.vector_load %arg8[%swap3A_32] {strides = array<i32>} : memref<16xi32, #tpu.memory_space<vmem>>, vector<16xi32>,
      %swap3A_34 = vector.shape_cast %swap3A_33 : vector<16xi32> to vector<16xi32>
      %swap3A_35 = vector.shape_cast %get3A_31 : vector<16xi32> to vector<16xi32>
      tpu.vector_store %arg8[%swap3A_32], %swap3A_35 {strides = array<i32>} : memref<16xi32, #tpu.memory_space<vmem>>, vector<16xi32>,
      %swap3A_36 = arith.constant 0 : index
      %swap3A_37 = tpu.vector_load %arg7[%swap3A_36] {strides = array<i32>} : memref<16xi32, #tpu.memory_space<vmem>>, vector<16xi32>,
      %swap3A_38 = vector.shape_cast %swap3A_37 : vector<16xi32> to vector<16xi32>
      %swap3A_39 = vector.shape_cast %broadcast_in_dim3A_1 : vector<16xi32> to vector<16xi32>
      tpu.vector_store %arg7[%swap3A_36], %swap3A_39 {strides = array<i32>} : memref<16xi32, #tpu.memory_space<vmem>>, vector<16xi32>,
      %scan3A_40 = arith.constant 0 : i32
      %scan3A_41 = arith.constant 0 : i32
      %scan3A_42 = arith.constant 64 : i32
      %scan3A_43 = arith.addi %scan3A_41, %scan3A_42 : i32
      %scan3A_44 = arith.constant 1 : i32
      %scan3A_45 = scf.for %scan3A_141 = %scan3A_41 to %scan3A_43 step %scan3A_44 iter_args(%scan3A_142 = %scan3A_40) -> (i32)  : i32 {
        %get3A_143 = arith.constant 0 : index
        %get3A_144 = tpu.vector_load %arg8[%get3A_143] {strides = array<i32>} : memref<16xi32, #tpu.memory_space<vmem>>, vector<16xi32>,
        %get3A_145 = vector.shape_cast %get3A_144 : vector<16xi32> to vector<16xi32>
        %get3A_146 = arith.constant 0 : index
        %get3A_147 = tpu.vector_load %arg7[%get3A_146] {strides = array<i32>} : memref<16xi32, #tpu.memory_space<vmem>>, vector<16xi32>,
        %get3A_148 = vector.shape_cast %get3A_147 : vector<16xi32> to vector<16xi32>
        %mul3A_149 = arith.constant 16 : i32
        %mul3A_150 = arith.muli %scan3A_141, %mul3A_149 : i32
        %get3A_151 = arith.index_cast %mul3A_150 : i32 to index
        %get3A_152 = tpu.vector_load %arg5[%get3A_151] {strides = array<i32>} : memref<1024xi32, #tpu.memory_space<vmem>>, vector<16xi32>,
        %get3A_153 = vector.shape_cast %get3A_152 : vector<16xi32> to vector<16xi32>
        %gt3A = arith.cmpi sgt, %get3A_153, %get3A_145 : vector<16xi32>
        %select_n3A = arith.select %gt3A, %broadcast_in_dim3A_3, %broadcast_in_dim3A_1 : vector<16xi1>, vector<16xi32>
        %add3A_154 = arith.addi %get3A_148, %select_n3A : vector<16xi32>
        %swap3A_155 = arith.constant 0 : index
        %swap3A_156 = tpu.vector_load %arg7[%swap3A_155] {strides = array<i32>} : memref<16xi32, #tpu.memory_space<vmem>>, vector<16xi32>,
        %swap3A_157 = vector.shape_cast %swap3A_156 : vector<16xi32> to vector<16xi32>
        %swap3A_158 = vector.shape_cast %add3A_154 : vector<16xi32> to vector<16xi32>
        tpu.vector_store %arg7[%swap3A_155], %swap3A_158 {strides = array<i32>} : memref<16xi32, #tpu.memory_space<vmem>>, vector<16xi32>,
        %scan3A_159 = arith.constant 0 : i32
        scf.yield %scan3A_159 : i32
      }
      %scan3A_46 = arith.constant 64 : i32
      %get3A_47 = arith.constant 0 : index
      %get3A_48 = tpu.vector_load %arg7[%get3A_47] {strides = array<i32>} : memref<16xi32, #tpu.memory_space<vmem>>, vector<16xi32>,
      %get3A_49 = vector.shape_cast %get3A_48 : vector<16xi32> to vector<16xi32>
      %swap3A_50 = arith.constant 0 : index
      %swap3A_51 = tpu.vector_load %arg12[%swap3A_50] {strides = array<i32>} : memref<32xi32, #tpu.memory_space<vmem>>, vector<16xi32>,
      %swap3A_52 = vector.shape_cast %swap3A_51 : vector<16xi32> to vector<16xi32>
      %swap3A_53 = vector.shape_cast %get3A_49 : vector<16xi32> to vector<16xi32>
      tpu.vector_store %arg12[%swap3A_50], %swap3A_53 {strides = array<i32>} : memref<32xi32, #tpu.memory_space<vmem>>, vector<16xi32>,
      %get3A_54 = arith.constant 0 : index
      %get3A_55 = tpu.vector_load %arg7[%get3A_54] {strides = array<i32>} : memref<16xi32, #tpu.memory_space<vmem>>, vector<16xi32>,
      %get3A_56 = vector.shape_cast %get3A_55 : vector<16xi32> to vector<16xi32>
      %swap3A_57 = arith.constant 16 : index
      %swap3A_58 = tpu.vector_load %arg12[%swap3A_57] {strides = array<i32>} : memref<32xi32, #tpu.memory_space<vmem>>, vector<16xi32>,
      %swap3A_59 = vector.shape_cast %swap3A_58 : vector<16xi32> to vector<16xi32>
      %swap3A_60 = vector.shape_cast %get3A_56 : vector<16xi32> to vector<16xi32>
      tpu.vector_store %arg12[%swap3A_57], %swap3A_60 {strides = array<i32>} : memref<32xi32, #tpu.memory_space<vmem>>, vector<16xi32>,
      %get3A_61 = arith.constant 0 : index
      %get3A_62 = tpu.vector_load %arg12[%get3A_61] {strides = array<i32>} : memref<32xi32, #tpu.memory_space<vmem>>, vector<16xi32>,
      %get3A_63 = vector.shape_cast %get3A_62 : vector<16xi32> to vector<16xi32>
      %get3A_64 = arith.constant 8 : index
      %get3A_65 = tpu.vector_load %arg12[%get3A_64] {strides = array<i32>} : memref<32xi32, #tpu.memory_space<vmem>>, vector<16xi32>,
      %get3A_66 = vector.shape_cast %get3A_65 : vector<16xi32> to vector<16xi32>
      %add3A_67 = arith.addi %get3A_63, %get3A_66 : vector<16xi32>
      %swap3A_68 = arith.constant 0 : index
      %swap3A_69 = tpu.vector_load %arg12[%swap3A_68] {strides = array<i32>} : memref<32xi32, #tpu.memory_space<vmem>>, vector<16xi32>,
      %swap3A_70 = vector.shape_cast %swap3A_69 : vector<16xi32> to vector<16xi32>
      %swap3A_71 = vector.shape_cast %add3A_67 : vector<16xi32> to vector<16xi32>
      tpu.vector_store %arg12[%swap3A_68], %swap3A_71 {strides = array<i32>} : memref<32xi32, #tpu.memory_space<vmem>>, vector<16xi32>,
      %swap3A_72 = arith.constant 16 : index
      %swap3A_73 = tpu.vector_load %arg12[%swap3A_72] {strides = array<i32>} : memref<32xi32, #tpu.memory_space<vmem>>, vector<16xi32>,
      %swap3A_74 = vector.shape_cast %swap3A_73 : vector<16xi32> to vector<16xi32>
      %swap3A_75 = vector.shape_cast %add3A_67 : vector<16xi32> to vector<16xi32>
      tpu.vector_store %arg12[%swap3A_72], %swap3A_75 {strides = array<i32>} : memref<32xi32, #tpu.memory_space<vmem>>, vector<16xi32>,
      %get3A_76 = arith.constant 0 : index
      %get3A_77 = tpu.vector_load %arg12[%get3A_76] {strides = array<i32>} : memref<32xi32, #tpu.memory_space<vmem>>, vector<16xi32>,
      %get3A_78 = vector.shape_cast %get3A_77 : vector<16xi32> to vector<16xi32>
      %get3A_79 = arith.constant 4 : index
      %get3A_80 = tpu.vector_load %arg12[%get3A_79] {strides = array<i32>} : memref<32xi32, #tpu.memory_space<vmem>>, vector<16xi32>,
      %get3A_81 = vector.shape_cast %get3A_80 : vector<16xi32> to vector<16xi32>
      %add3A_82 = arith.addi %get3A_78, %get3A_81 : vector<16xi32>
      %swap3A_83 = arith.constant 0 : index
      %swap3A_84 = tpu.vector_load %arg12[%swap3A_83] {strides = array<i32>} : memref<32xi32, #tpu.memory_space<vmem>>, vector<16xi32>,
      %swap3A_85 = vector.shape_cast %swap3A_84 : vector<16xi32> to vector<16xi32>
      %swap3A_86 = vector.shape_cast %add3A_82 : vector<16xi32> to vector<16xi32>
      tpu.vector_store %arg12[%swap3A_83], %swap3A_86 {strides = array<i32>} : memref<32xi32, #tpu.memory_space<vmem>>, vector<16xi32>,
      %swap3A_87 = arith.constant 16 : index
      %swap3A_88 = tpu.vector_load %arg12[%swap3A_87] {strides = array<i32>} : memref<32xi32, #tpu.memory_space<vmem>>, vector<16xi32>,
      %swap3A_89 = vector.shape_cast %swap3A_88 : vector<16xi32> to vector<16xi32>
      %swap3A_90 = vector.shape_cast %add3A_82 : vector<16xi32> to vector<16xi32>
      tpu.vector_store %arg12[%swap3A_87], %swap3A_90 {strides = array<i32>} : memref<32xi32, #tpu.memory_space<vmem>>, vector<16xi32>,
      %get3A_91 = arith.constant 0 : index
      %get3A_92 = tpu.vector_load %arg12[%get3A_91] {strides = array<i32>} : memref<32xi32, #tpu.memory_space<vmem>>, vector<16xi32>,
      %get3A_93 = vector.shape_cast %get3A_92 : vector<16xi32> to vector<16xi32>
      %get3A_94 = arith.constant 2 : index
      %get3A_95 = tpu.vector_load %arg12[%get3A_94] {strides = array<i32>} : memref<32xi32, #tpu.memory_space<vmem>>, vector<16xi32>,
      %get3A_96 = vector.shape_cast %get3A_95 : vector<16xi32> to vector<16xi32>
      %add3A_97 = arith.addi %get3A_93, %get3A_96 : vector<16xi32>
      %swap3A_98 = arith.constant 0 : index
      %swap3A_99 = tpu.vector_load %arg12[%swap3A_98] {strides = array<i32>} : memref<32xi32, #tpu.memory_space<vmem>>, vector<16xi32>,
      %swap3A_100 = vector.shape_cast %swap3A_99 : vector<16xi32> to vector<16xi32>
      %swap3A_101 = vector.shape_cast %add3A_97 : vector<16xi32> to vector<16xi32>
      tpu.vector_store %arg12[%swap3A_98], %swap3A_101 {strides = array<i32>} : memref<32xi32, #tpu.memory_space<vmem>>, vector<16xi32>,
      %swap3A_102 = arith.constant 16 : index
      %swap3A_103 = tpu.vector_load %arg12[%swap3A_102] {strides = array<i32>} : memref<32xi32, #tpu.memory_space<vmem>>, vector<16xi32>,
      %swap3A_104 = vector.shape_cast %swap3A_103 : vector<16xi32> to vector<16xi32>
      %swap3A_105 = vector.shape_cast %add3A_97 : vector<16xi32> to vector<16xi32>
      tpu.vector_store %arg12[%swap3A_102], %swap3A_105 {strides = array<i32>} : memref<32xi32, #tpu.memory_space<vmem>>, vector<16xi32>,
      %get3A_106 = arith.constant 0 : index
      %get3A_107 = tpu.vector_load %arg12[%get3A_106] {strides = array<i32>} : memref<32xi32, #tpu.memory_space<vmem>>, vector<16xi32>,
      %get3A_108 = vector.shape_cast %get3A_107 : vector<16xi32> to vector<16xi32>
      %get3A_109 = arith.constant 1 : index
      %get3A_110 = tpu.vector_load %arg12[%get3A_109] {strides = array<i32>} : memref<32xi32, #tpu.memory_space<vmem>>, vector<16xi32>,
      %get3A_111 = vector.shape_cast %get3A_110 : vector<16xi32> to vector<16xi32>
      %add3A_112 = arith.addi %get3A_108, %get3A_111 : vector<16xi32>
      %swap3A_113 = arith.constant 0 : index
      %swap3A_114 = tpu.vector_load %arg12[%swap3A_113] {strides = array<i32>} : memref<32xi32, #tpu.memory_space<vmem>>, vector<16xi32>,
      %swap3A_115 = vector.shape_cast %swap3A_114 : vector<16xi32> to vector<16xi32>
      %swap3A_116 = vector.shape_cast %add3A_112 : vector<16xi32> to vector<16xi32>
      tpu.vector_store %arg12[%swap3A_113], %swap3A_116 {strides = array<i32>} : memref<32xi32, #tpu.memory_space<vmem>>, vector<16xi32>,
      %swap3A_117 = arith.constant 16 : index
      %swap3A_118 = tpu.vector_load %arg12[%swap3A_117] {strides = array<i32>} : memref<32xi32, #tpu.memory_space<vmem>>, vector<16xi32>,
      %swap3A_119 = vector.shape_cast %swap3A_118 : vector<16xi32> to vector<16xi32>
      %swap3A_120 = vector.shape_cast %add3A_112 : vector<16xi32> to vector<16xi32>
      tpu.vector_store %arg12[%swap3A_117], %swap3A_120 {strides = array<i32>} : memref<32xi32, #tpu.memory_space<vmem>>, vector<16xi32>,
      %broadcast_in_dim3A_121 = arith.constant 100 : i32
      %broadcast_in_dim3A_122 = vector.broadcast %broadcast_in_dim3A_121 : i32 to vector<16xi32>
      %get3A_123 = arith.constant 0 : index
      %get3A_124 = tpu.vector_load %arg12[%get3A_123] {strides = array<i32>} : memref<32xi32, #tpu.memory_space<vmem>>, vector<16xi32>,
      %get3A_125 = vector.shape_cast %get3A_124 : vector<16xi32> to vector<16xi32>
      %sub3A = arith.subi %broadcast_in_dim3A_122, %get3A_125 : vector<16xi32>
      %swap3A_126 = arith.constant 0 : index
      %swap3A_127 = tpu.vector_load %arg11[%swap3A_126] {strides = array<i32>} : memref<16xi32, #tpu.memory_space<vmem>>, vector<16xi32>,
      %swap3A_128 = vector.shape_cast %swap3A_127 : vector<16xi32> to vector<16xi32>
      %swap3A_129 = vector.shape_cast %sub3A : vector<16xi32> to vector<16xi32>
      tpu.vector_store %arg11[%swap3A_126], %swap3A_129 {strides = array<i32>} : memref<16xi32, #tpu.memory_space<vmem>>, vector<16xi32>,
      %swap3A_130 = arith.constant 0 : index
      %swap3A_131 = tpu.vector_load %arg7[%swap3A_130] {strides = array<i32>} : memref<16xi32, #tpu.memory_space<vmem>>, vector<16xi32>,
      %swap3A_132 = vector.shape_cast %swap3A_131 : vector<16xi32> to vector<16xi32>
      %swap3A_133 = vector.shape_cast %broadcast_in_dim3A_1 : vector<16xi32> to vector<16xi32>
      tpu.vector_store %arg7[%swap3A_130], %swap3A_133 {strides = array<i32>} : memref<16xi32, #tpu.memory_space<vmem>>, vector<16xi32>,
      %scan3A_134 = arith.constant 0 : i32
      %scan3A_135 = arith.constant 0 : i32
      %scan3A_136 = arith.constant 64 : i32
      %scan3A_137 = arith.addi %scan3A_135, %scan3A_136 : i32
      %scan3A_138 = arith.constant 1 : i32
      %scan3A_139 = scf.for %scan3A_141 = %scan3A_135 to %scan3A_137 step %scan3A_138 iter_args(%scan3A_142 = %scan3A_134) -> (i32)  : i32 {
        %mul3A_143 = arith.constant 16 : i32
        %mul3A_144 = arith.muli %scan3A_141, %mul3A_143 : i32
        %get3A_145 = arith.index_cast %mul3A_144 : i32 to index
        %get3A_146 = tpu.vector_load %arg5[%get3A_145] {strides = array<i32>} : memref<1024xi32, #tpu.memory_space<vmem>>, vector<16xi32>,
        %get3A_147 = vector.shape_cast %get3A_146 : vector<16xi32> to vector<16xi32>
        %get3A_148 = arith.constant 0 : index
        %get3A_149 = tpu.vector_load %arg8[%get3A_148] {strides = array<i32>} : memref<16xi32, #tpu.memory_space<vmem>>, vector<16xi32>,
        %get3A_150 = vector.shape_cast %get3A_149 : vector<16xi32> to vector<16xi32>
        %get3A_151 = arith.constant 0 : index
        %get3A_152 = tpu.vector_load %arg11[%get3A_151] {strides = array<i32>} : memref<16xi32, #tpu.memory_space<vmem>>, vector<16xi32>,
        %get3A_153 = vector.shape_cast %get3A_152 : vector<16xi32> to vector<16xi32>
        %eq3A = arith.cmpi eq, %get3A_147, %get3A_150 : vector<16xi32>
        %select_n3A = arith.select %eq3A, %broadcast_in_dim3A_3, %broadcast_in_dim3A_1 : vector<16xi1>, vector<16xi32>
        %swap3A_154 = arith.constant 0 : index
        %swap3A_155 = tpu.vector_load %arg12[%swap3A_154] {strides = array<i32>} : memref<32xi32, #tpu.memory_space<vmem>>, vector<16xi32>,
        %swap3A_156 = vector.shape_cast %swap3A_155 : vector<16xi32> to vector<16xi32>
        %swap3A_157 = vector.shape_cast %broadcast_in_dim3A_1 : vector<16xi32> to vector<16xi32>
        tpu.vector_store %arg12[%swap3A_154], %swap3A_157 {strides = array<i32>} : memref<32xi32, #tpu.memory_space<vmem>>, vector<16xi32>,
        %swap3A_158 = arith.constant 1 : index
        %swap3A_159 = tpu.vector_load %arg12[%swap3A_158] {strides = array<i32>} : memref<32xi32, #tpu.memory_space<vmem>>, vector<16xi32>,
        %swap3A_160 = vector.shape_cast %swap3A_159 : vector<16xi32> to vector<16xi32>
        %swap3A_161 = vector.shape_cast %select_n3A : vector<16xi32> to vector<16xi32>
        tpu.vector_store %arg12[%swap3A_158], %swap3A_161 {strides = array<i32>} : memref<32xi32, #tpu.memory_space<vmem>>, vector<16xi32>,
        %get3A_162 = arith.constant 0 : index
        %get3A_163 = tpu.vector_load %arg12[%get3A_162] {strides = array<i32>} : memref<32xi32, #tpu.memory_space<vmem>>, vector<16xi32>,
        %get3A_164 = vector.shape_cast %get3A_163 : vector<16xi32> to vector<16xi32>
        %add3A_165 = arith.addi %select_n3A, %get3A_164 : vector<16xi32>
        %swap3A_166 = arith.constant 0 : index
        %swap3A_167 = tpu.vector_load %arg12[%swap3A_166] {strides = array<i32>} : memref<32xi32, #tpu.memory_space<vmem>>, vector<16xi32>,
        %swap3A_168 = vector.shape_cast %swap3A_167 : vector<16xi32> to vector<16xi32>
        %swap3A_169 = vector.shape_cast %broadcast_in_dim3A_1 : vector<16xi32> to vector<16xi32>
        tpu.vector_store %arg12[%swap3A_166], %swap3A_169 {strides = array<i32>} : memref<32xi32, #tpu.memory_space<vmem>>, vector<16xi32>,
        %swap3A_170 = arith.constant 2 : index
        %swap3A_171 = tpu.vector_load %arg12[%swap3A_170] {strides = array<i32>} : memref<32xi32, #tpu.memory_space<vmem>>, vector<16xi32>,
        %swap3A_172 = vector.shape_cast %swap3A_171 : vector<16xi32> to vector<16xi32>
        %swap3A_173 = vector.shape_cast %add3A_165 : vector<16xi32> to vector<16xi32>
        tpu.vector_store %arg12[%swap3A_170], %swap3A_173 {strides = array<i32>} : memref<32xi32, #tpu.memory_space<vmem>>, vector<16xi32>,
        %get3A_174 = arith.constant 0 : index
        %get3A_175 = tpu.vector_load %arg12[%get3A_174] {strides = array<i32>} : memref<32xi32, #tpu.memory_space<vmem>>, vector<16xi32>,
        %get3A_176 = vector.shape_cast %get3A_175 : vector<16xi32> to vector<16xi32>
        %add3A_177 = arith.addi %add3A_165, %get3A_176 : vector<16xi32>
        %swap3A_178 = arith.constant 0 : index
        %swap3A_179 = tpu.vector_load %arg12[%swap3A_178] {strides = array<i32>} : memref<32xi32, #tpu.memory_space<vmem>>, vector<16xi32>,
        %swap3A_180 = vector.shape_cast %swap3A_179 : vector<16xi32> to vector<16xi32>
        %swap3A_181 = vector.shape_cast %broadcast_in_dim3A_1 : vector<16xi32> to vector<16xi32>
        tpu.vector_store %arg12[%swap3A_178], %swap3A_181 {strides = array<i32>} : memref<32xi32, #tpu.memory_space<vmem>>, vector<16xi32>,
        %swap3A_182 = arith.constant 4 : index
        %swap3A_183 = tpu.vector_load %arg12[%swap3A_182] {strides = array<i32>} : memref<32xi32, #tpu.memory_space<vmem>>, vector<16xi32>,
        %swap3A_184 = vector.shape_cast %swap3A_183 : vector<16xi32> to vector<16xi32>
        %swap3A_185 = vector.shape_cast %add3A_177 : vector<16xi32> to vector<16xi32>
        tpu.vector_store %arg12[%swap3A_182], %swap3A_185 {strides = array<i32>} : memref<32xi32, #tpu.memory_space<vmem>>, vector<16xi32>,
        %get3A_186 = arith.constant 0 : index
        %get3A_187 = tpu.vector_load %arg12[%get3A_186] {strides = array<i32>} : memref<32xi32, #tpu.memory_space<vmem>>, vector<16xi32>,
        %get3A_188 = vector.shape_cast %get3A_187 : vector<16xi32> to vector<16xi32>
        %add3A_189 = arith.addi %add3A_177, %get3A_188 : vector<16xi32>
        %swap3A_190 = arith.constant 0 : index
        %swap3A_191 = tpu.vector_load %arg12[%swap3A_190] {strides = array<i32>} : memref<32xi32, #tpu.memory_space<vmem>>, vector<16xi32>,
        %swap3A_192 = vector.shape_cast %swap3A_191 : vector<16xi32> to vector<16xi32>
        %swap3A_193 = vector.shape_cast %broadcast_in_dim3A_1 : vector<16xi32> to vector<16xi32>
        tpu.vector_store %arg12[%swap3A_190], %swap3A_193 {strides = array<i32>} : memref<32xi32, #tpu.memory_space<vmem>>, vector<16xi32>,
        %swap3A_194 = arith.constant 8 : index
        %swap3A_195 = tpu.vector_load %arg12[%swap3A_194] {strides = array<i32>} : memref<32xi32, #tpu.memory_space<vmem>>, vector<16xi32>,
        %swap3A_196 = vector.shape_cast %swap3A_195 : vector<16xi32> to vector<16xi32>
        %swap3A_197 = vector.shape_cast %add3A_189 : vector<16xi32> to vector<16xi32>
        tpu.vector_store %arg12[%swap3A_194], %swap3A_197 {strides = array<i32>} : memref<32xi32, #tpu.memory_space<vmem>>, vector<16xi32>,
        %get3A_198 = arith.constant 0 : index
        %get3A_199 = tpu.vector_load %arg12[%get3A_198] {strides = array<i32>} : memref<32xi32, #tpu.memory_space<vmem>>, vector<16xi32>,
        %get3A_200 = vector.shape_cast %get3A_199 : vector<16xi32> to vector<16xi32>
        %add3A_201 = arith.addi %add3A_189, %get3A_200 : vector<16xi32>
        %get3A_202 = arith.constant 0 : index
        %get3A_203 = tpu.vector_load %arg7[%get3A_202] {strides = array<i32>} : memref<16xi32, #tpu.memory_space<vmem>>, vector<16xi32>,
        %get3A_204 = vector.shape_cast %get3A_203 : vector<16xi32> to vector<16xi32>
        %add3A_205 = arith.addi %add3A_201, %get3A_204 : vector<16xi32>
        %gt3A = arith.cmpi sgt, %get3A_147, %get3A_150 : vector<16xi32>
        %le3A = arith.cmpi sle, %add3A_205, %get3A_153 : vector<16xi32>
        %and3A = arith.andi %eq3A, %le3A : vector<16xi1>
        %or3A = arith.ori %gt3A, %and3A : vector<16xi1>
        %jit3A = arith.constant 1.000000e+00 : f32
        %jit3A_206 = arith.constant 0.000000e+00 : f32
        %broadcast_in_dim3A_207 = vector.broadcast %jit3A : f32 to vector<16xf32>
        %broadcast_in_dim3A_208 = vector.broadcast %jit3A_206 : f32 to vector<16xf32>
        %select_n3A_209 = arith.select %or3A, %broadcast_in_dim3A_207, %broadcast_in_dim3A_208 : vector<16xi1>, vector<16xf32>
        %mul3A_210 = arith.constant 16 : i32
        %mul3A_211 = arith.muli %scan3A_141, %mul3A_210 : i32
        %swap3A_212 = arith.index_cast %mul3A_211 : i32 to index
        %swap3A_213 = tpu.vector_load %arg6[%swap3A_212] {strides = array<i32>} : memref<1024xf32, #tpu.memory_space<vmem>>, vector<16xf32>,
        %swap3A_214 = vector.shape_cast %swap3A_213 : vector<16xf32> to vector<16xf32>
        %swap3A_215 = vector.shape_cast %select_n3A_209 : vector<16xf32> to vector<16xf32>
        tpu.vector_store %arg6[%swap3A_212], %swap3A_215 {strides = array<i32>} : memref<1024xf32, #tpu.memory_space<vmem>>, vector<16xf32>,
        %swap3A_216 = arith.constant 0 : index
        %swap3A_217 = tpu.vector_load %arg12[%swap3A_216] {strides = array<i32>} : memref<32xi32, #tpu.memory_space<vmem>>, vector<16xi32>,
        %swap3A_218 = vector.shape_cast %swap3A_217 : vector<16xi32> to vector<16xi32>
        %swap3A_219 = vector.shape_cast %add3A_205 : vector<16xi32> to vector<16xi32>
        tpu.vector_store %arg12[%swap3A_216], %swap3A_219 {strides = array<i32>} : memref<32xi32, #tpu.memory_space<vmem>>, vector<16xi32>,
        %swap3A_220 = arith.constant 16 : index
        %swap3A_221 = tpu.vector_load %arg12[%swap3A_220] {strides = array<i32>} : memref<32xi32, #tpu.memory_space<vmem>>, vector<16xi32>,
        %swap3A_222 = vector.shape_cast %swap3A_221 : vector<16xi32> to vector<16xi32>
        %swap3A_223 = vector.shape_cast %add3A_205 : vector<16xi32> to vector<16xi32>
        tpu.vector_store %arg12[%swap3A_220], %swap3A_223 {strides = array<i32>} : memref<32xi32, #tpu.memory_space<vmem>>, vector<16xi32>,
        %get3A_224 = arith.constant 0 : index
        %get3A_225 = tpu.vector_load %arg12[%get3A_224] {strides = array<i32>} : memref<32xi32, #tpu.memory_space<vmem>>, vector<16xi32>,
        %get3A_226 = vector.shape_cast %get3A_225 : vector<16xi32> to vector<16xi32>
        %get3A_227 = arith.constant 8 : index
        %get3A_228 = tpu.vector_load %arg12[%get3A_227] {strides = array<i32>} : memref<32xi32, #tpu.memory_space<vmem>>, vector<16xi32>,
        %get3A_229 = vector.shape_cast %get3A_228 : vector<16xi32> to vector<16xi32>
        %max3A = arith.maxsi %get3A_226, %get3A_229 : vector<16xi32>
        %swap3A_230 = arith.constant 0 : index
        %swap3A_231 = tpu.vector_load %arg12[%swap3A_230] {strides = array<i32>} : memref<32xi32, #tpu.memory_space<vmem>>, vector<16xi32>,
        %swap3A_232 = vector.shape_cast %swap3A_231 : vector<16xi32> to vector<16xi32>
        %swap3A_233 = vector.shape_cast %max3A : vector<16xi32> to vector<16xi32>
        tpu.vector_store %arg12[%swap3A_230], %swap3A_233 {strides = array<i32>} : memref<32xi32, #tpu.memory_space<vmem>>, vector<16xi32>,
        %swap3A_234 = arith.constant 16 : index
        %swap3A_235 = tpu.vector_load %arg12[%swap3A_234] {strides = array<i32>} : memref<32xi32, #tpu.memory_space<vmem>>, vector<16xi32>,
        %swap3A_236 = vector.shape_cast %swap3A_235 : vector<16xi32> to vector<16xi32>
        %swap3A_237 = vector.shape_cast %max3A : vector<16xi32> to vector<16xi32>
        tpu.vector_store %arg12[%swap3A_234], %swap3A_237 {strides = array<i32>} : memref<32xi32, #tpu.memory_space<vmem>>, vector<16xi32>,
        %get3A_238 = arith.constant 0 : index
        %get3A_239 = tpu.vector_load %arg12[%get3A_238] {strides = array<i32>} : memref<32xi32, #tpu.memory_space<vmem>>, vector<16xi32>,
        %get3A_240 = vector.shape_cast %get3A_239 : vector<16xi32> to vector<16xi32>
        %get3A_241 = arith.constant 4 : index
        %get3A_242 = tpu.vector_load %arg12[%get3A_241] {strides = array<i32>} : memref<32xi32, #tpu.memory_space<vmem>>, vector<16xi32>,
        %get3A_243 = vector.shape_cast %get3A_242 : vector<16xi32> to vector<16xi32>
        %max3A_244 = arith.maxsi %get3A_240, %get3A_243 : vector<16xi32>
        %swap3A_245 = arith.constant 0 : index
        %swap3A_246 = tpu.vector_load %arg12[%swap3A_245] {strides = array<i32>} : memref<32xi32, #tpu.memory_space<vmem>>, vector<16xi32>,
        %swap3A_247 = vector.shape_cast %swap3A_246 : vector<16xi32> to vector<16xi32>
        %swap3A_248 = vector.shape_cast %max3A_244 : vector<16xi32> to vector<16xi32>
        tpu.vector_store %arg12[%swap3A_245], %swap3A_248 {strides = array<i32>} : memref<32xi32, #tpu.memory_space<vmem>>, vector<16xi32>,
        %swap3A_249 = arith.constant 16 : index
        %swap3A_250 = tpu.vector_load %arg12[%swap3A_249] {strides = array<i32>} : memref<32xi32, #tpu.memory_space<vmem>>, vector<16xi32>,
        %swap3A_251 = vector.shape_cast %swap3A_250 : vector<16xi32> to vector<16xi32>
        %swap3A_252 = vector.shape_cast %max3A_244 : vector<16xi32> to vector<16xi32>
        tpu.vector_store %arg12[%swap3A_249], %swap3A_252 {strides = array<i32>} : memref<32xi32, #tpu.memory_space<vmem>>, vector<16xi32>,
        %get3A_253 = arith.constant 0 : index
        %get3A_254 = tpu.vector_load %arg12[%get3A_253] {strides = array<i32>} : memref<32xi32, #tpu.memory_space<vmem>>, vector<16xi32>,
        %get3A_255 = vector.shape_cast %get3A_254 : vector<16xi32> to vector<16xi32>
        %get3A_256 = arith.constant 2 : index
        %get3A_257 = tpu.vector_load %arg12[%get3A_256] {strides = array<i32>} : memref<32xi32, #tpu.memory_space<vmem>>, vector<16xi32>,
        %get3A_258 = vector.shape_cast %get3A_257 : vector<16xi32> to vector<16xi32>
        %max3A_259 = arith.maxsi %get3A_255, %get3A_258 : vector<16xi32>
        %swap3A_260 = arith.constant 0 : index
        %swap3A_261 = tpu.vector_load %arg12[%swap3A_260] {strides = array<i32>} : memref<32xi32, #tpu.memory_space<vmem>>, vector<16xi32>,
        %swap3A_262 = vector.shape_cast %swap3A_261 : vector<16xi32> to vector<16xi32>
        %swap3A_263 = vector.shape_cast %max3A_259 : vector<16xi32> to vector<16xi32>
        tpu.vector_store %arg12[%swap3A_260], %swap3A_263 {strides = array<i32>} : memref<32xi32, #tpu.memory_space<vmem>>, vector<16xi32>,
        %swap3A_264 = arith.constant 16 : index
        %swap3A_265 = tpu.vector_load %arg12[%swap3A_264] {strides = array<i32>} : memref<32xi32, #tpu.memory_space<vmem>>, vector<16xi32>,
        %swap3A_266 = vector.shape_cast %swap3A_265 : vector<16xi32> to vector<16xi32>
        %swap3A_267 = vector.shape_cast %max3A_259 : vector<16xi32> to vector<16xi32>
        tpu.vector_store %arg12[%swap3A_264], %swap3A_267 {strides = array<i32>} : memref<32xi32, #tpu.memory_space<vmem>>, vector<16xi32>,
        %get3A_268 = arith.constant 0 : index
        %get3A_269 = tpu.vector_load %arg12[%get3A_268] {strides = array<i32>} : memref<32xi32, #tpu.memory_space<vmem>>, vector<16xi32>,
        %get3A_270 = vector.shape_cast %get3A_269 : vector<16xi32> to vector<16xi32>
        %get3A_271 = arith.constant 1 : index
        %get3A_272 = tpu.vector_load %arg12[%get3A_271] {strides = array<i32>} : memref<32xi32, #tpu.memory_space<vmem>>, vector<16xi32>,
        %get3A_273 = vector.shape_cast %get3A_272 : vector<16xi32> to vector<16xi32>
        %max3A_274 = arith.maxsi %get3A_270, %get3A_273 : vector<16xi32>
        %swap3A_275 = arith.constant 0 : index
        %swap3A_276 = tpu.vector_load %arg12[%swap3A_275] {strides = array<i32>} : memref<32xi32, #tpu.memory_space<vmem>>, vector<16xi32>,
        %swap3A_277 = vector.shape_cast %swap3A_276 : vector<16xi32> to vector<16xi32>
        %swap3A_278 = vector.shape_cast %max3A_274 : vector<16xi32> to vector<16xi32>
        tpu.vector_store %arg12[%swap3A_275], %swap3A_278 {strides = array<i32>} : memref<32xi32, #tpu.memory_space<vmem>>, vector<16xi32>,
        %swap3A_279 = arith.constant 16 : index
        %swap3A_280 = tpu.vector_load %arg12[%swap3A_279] {strides = array<i32>} : memref<32xi32, #tpu.memory_space<vmem>>, vector<16xi32>,
        %swap3A_281 = vector.shape_cast %swap3A_280 : vector<16xi32> to vector<16xi32>
        %swap3A_282 = vector.shape_cast %max3A_274 : vector<16xi32> to vector<16xi32>
        tpu.vector_store %arg12[%swap3A_279], %swap3A_282 {strides = array<i32>} : memref<32xi32, #tpu.memory_space<vmem>>, vector<16xi32>,
        %get3A_283 = arith.constant 0 : index
        %get3A_284 = tpu.vector_load %arg12[%get3A_283] {strides = array<i32>} : memref<32xi32, #tpu.memory_space<vmem>>, vector<16xi32>,
        %get3A_285 = vector.shape_cast %get3A_284 : vector<16xi32> to vector<16xi32>
        %swap3A_286 = arith.constant 0 : index
        %swap3A_287 = tpu.vector_load %arg7[%swap3A_286] {strides = array<i32>} : memref<16xi32, #tpu.memory_space<vmem>>, vector<16xi32>,
        %swap3A_288 = vector.shape_cast %swap3A_287 : vector<16xi32> to vector<16xi32>
        %swap3A_289 = vector.shape_cast %get3A_285 : vector<16xi32> to vector<16xi32>
        tpu.vector_store %arg7[%swap3A_286], %swap3A_289 {strides = array<i32>} : memref<16xi32, #tpu.memory_space<vmem>>, vector<16xi32>,
        %scan3A_290 = arith.constant 0 : i32
        scf.yield %scan3A_290 : i32
      }
      %scan3A_140 = arith.constant 64 : i32
      "tpu.region"() ({
        %run_scoped3A = tpu.sem_alloc : memref<!tpu.dma_semaphore, #tpu.memory_space<semaphore_mem>>
        %dma_start3A = arith.constant 0 : i32
        %dma_start3A_141 = tpu.memref_slice %arg3[%add3A, %dma_start3A] : memref<16x1024xf32, #tpu.memory_space<hbm>> -> memref<1x1024xf32, #tpu.memory_space<hbm>>
        %dma_start3A_142 = tpu.memref_squeeze %dma_start3A_141 : memref<1x1024xf32, #tpu.memory_space<hbm>> -> memref<1024xf32, #tpu.memory_space<hbm>>
        %dma_start3A_143 = arith.constant 0 : i32
        %dma_start3A_144 = tpu.memref_slice %arg3[%add3A, %dma_start3A_143] : memref<16x1024xf32, #tpu.memory_space<hbm>> -> memref<1x1024xf32, #tpu.memory_space<hbm>>
        %dma_start3A_145 = tpu.memref_squeeze %dma_start3A_144 : memref<1x1024xf32, #tpu.memory_space<hbm>> -> memref<1024xf32, #tpu.memory_space<hbm>>
        tpu.enqueue_dma source(%arg6 : memref<1024xf32, #tpu.memory_space<vmem>>) target(%dma_start3A_145 : memref<1024xf32, #tpu.memory_space<hbm>>) target_semaphore(%run_scoped3A : memref<!tpu.dma_semaphore, #tpu.memory_space<semaphore_mem>>)
        %dma_wait3A = arith.constant 0 : i32
        %dma_wait3A_146 = tpu.memref_slice %arg3[%add3A, %dma_wait3A] : memref<16x1024xf32, #tpu.memory_space<hbm>> -> memref<1x1024xf32, #tpu.memory_space<hbm>>
        %dma_wait3A_147 = tpu.memref_squeeze %dma_wait3A_146 : memref<1x1024xf32, #tpu.memory_space<hbm>> -> memref<1024xf32, #tpu.memory_space<hbm>>
        %dma_wait3A_148 = arith.constant 0 : i32
        %dma_wait3A_149 = tpu.memref_slice %arg3[%add3A, %dma_wait3A_148] : memref<16x1024xf32, #tpu.memory_space<hbm>> -> memref<1x1024xf32, #tpu.memory_space<hbm>>
        %dma_wait3A_150 = tpu.memref_squeeze %dma_wait3A_149 : memref<1x1024xf32, #tpu.memory_space<hbm>> -> memref<1024xf32, #tpu.memory_space<hbm>>
        tpu.wait_dma2 semaphore(%run_scoped3A : memref<!tpu.dma_semaphore, #tpu.memory_space<semaphore_mem>>) src(%arg6 : memref<1024xf32, #tpu.memory_space<vmem>>) dst(%dma_wait3A_150 : memref<1024xf32, #tpu.memory_space<hbm>>)
        tpu.yield
      }) : () -> ()
    } else {
    }
    return
  }
}

module attributes {stable_mosaic.version = 14 : i64} {
  func.func @_density_body(%arg0: i32, %arg1: memref<1x512x1024xf32, #tpu.memory_space<vmem>>, %arg2: memref<1x512xf32, #tpu.memory_space<vmem>>, %arg3: memref<1x1xf32, #tpu.memory_space<vmem>>, %arg4: memref<1x1x1024xf32, #tpu.memory_space<vmem>>) attributes {dimension_semantics = [#tpu.dimension_semantics<arbitrary>], iteration_bounds = array<i64: 16>, scalar_prefetch = 0 : i64, scratch_operands = 0 : i64, tpu.core_type = #tpu.core_type<tc>, window_params = [{transform_indices = @transform_0, window_bounds = array<i64: 1, 512, 1024>}, {pipeline_mode = #tpu.pipeline_mode<synchronous>, transform_indices = @transform_1, window_bounds = array<i64: 1, 512>}, {pipeline_mode = #tpu.pipeline_mode<synchronous>, transform_indices = @transform_2, window_bounds = array<i64: 1, 1>}, {transform_indices = @transform_3, window_bounds = array<i64: 1, 1, 1024>}]} {
    %get3A = arith.constant 0 : index
    %get3A_0 = arith.constant 0 : index
    %get3A_1 = arith.constant 0 : index
    %get3A_2 = vector.load %arg1[%get3A, %get3A_0, %get3A_1] : memref<1x512x1024xf32, #tpu.memory_space<vmem>>, vector<1x512x1024xf32>
    %get3A_3 = vector.shape_cast %get3A_2 : vector<1x512x1024xf32> to vector<512x1024xf32>
    %get3A_4 = arith.constant 0 : index
    %get3A_5 = arith.constant 0 : index
    %get3A_6 = vector.load %arg2[%get3A_4, %get3A_5] : memref<1x512xf32, #tpu.memory_space<vmem>>, vector<1x512xf32>
    %dot_general3A = arith.constant dense<0.000000e+00> : vector<1x1024xf32>
    %dot_general3A_7 = tpu.matmul %get3A_6, %get3A_3, %dot_general3A {dimension_numbers = #tpu.dot_dimension_numbers<[1], [0], [0], [1], [0, 0, 1, 1], [], []>, transpose_lhs_hint = false} : vector<1x512xf32>, vector<512x1024xf32>, vector<1x1024xf32> -> vector<1x1024xf32>
    %get3A_8 = arith.constant 0 : index
    %get3A_9 = arith.constant 0 : index
    %get3A_10 = vector.load %arg3[%get3A_8, %get3A_9] : memref<1x1xf32, #tpu.memory_space<vmem>>, vector<1x1xf32>
    %add3A = vector.broadcast %get3A_10 : vector<1x1xf32> to vector<1x1024xf32>
    %add3A_11 = arith.addf %dot_general3A_7, %add3A : vector<1x1024xf32>
    %logistic3A = arith.negf %add3A_11 : vector<1x1024xf32>
    %logistic3A_12 = math.exp %logistic3A : vector<1x1024xf32>
    %logistic3A_13 = arith.constant 1.000000e+00 : f32
    %logistic3A_14 = vector.broadcast %logistic3A_13 : f32 to vector<1x1024xf32>
    %logistic3A_15 = arith.addf %logistic3A_14, %logistic3A_12 : vector<1x1024xf32>
    %logistic3A_16 = arith.divf %logistic3A_14, %logistic3A_15 : vector<1x1024xf32>
    %swap3A = arith.constant 0 : index
    %swap3A_17 = arith.constant 0 : index
    %swap3A_18 = arith.constant 0 : index
    %swap3A_19 = vector.load %arg4[%swap3A, %swap3A_17, %swap3A_18] : memref<1x1x1024xf32, #tpu.memory_space<vmem>>, vector<1x1x1024xf32>
    %swap3A_20 = vector.shape_cast %swap3A_19 : vector<1x1x1024xf32> to vector<1x1024xf32>
    %swap3A_21 = vector.shape_cast %logistic3A_16 : vector<1x1024xf32> to vector<1x1x1024xf32>
    tpu.vector_store %arg4[%swap3A, %swap3A_17, %swap3A_18], %swap3A_21 {strides = array<i32>} : memref<1x1x1024xf32, #tpu.memory_space<vmem>>, vector<1x1x1024xf32>,
    return
  }
  func.func @transform_0(%arg0: i32) -> (i32, i32, i32) {
    %c0_i32 = arith.constant 0 : i32
    %c0_i32_0 = arith.constant 0 : i32
    %c0_i32_1 = arith.constant 0 : i32
    return %arg0, %c0_i32, %c0_i32_0 : i32, i32, i32
  }
  func.func @transform_1(%arg0: i32) -> (i32, i32) {
    %c0_i32 = arith.constant 0 : i32
    %c0_i32_0 = arith.constant 0 : i32
    %c0_i32_1 = arith.constant 0 : i32
    return %c0_i32, %c0_i32_0 : i32, i32
  }
  func.func @transform_2(%arg0: i32) -> (i32, i32) {
    %c0_i32 = arith.constant 0 : i32
    %c0_i32_0 = arith.constant 0 : i32
    %c0_i32_1 = arith.constant 0 : i32
    return %c0_i32, %c0_i32_0 : i32, i32
  }
  func.func @transform_3(%arg0: i32) -> (i32, i32, i32) {
    %c0_i32 = arith.constant 0 : i32
    %c0_i32_0 = arith.constant 0 : i32
    %c0_i32_1 = arith.constant 0 : i32
    return %arg0, %c0_i32, %c0_i32_0 : i32, i32, i32
  }
}

module attributes {stable_mosaic.version = 14 : i64} {
  func.func @_fusion_body(%arg0: i32, %arg1: memref<1x512x1024xf32, #tpu.memory_space<vmem>>, %arg2: memref<1x1x1024xf32, #tpu.memory_space<vmem>>, %arg3: memref<256x512xf32, #tpu.memory_space<vmem>>, %arg4: memref<512x256xf32, #tpu.memory_space<vmem>>, %arg5: memref<256x768xf32, #tpu.memory_space<vmem>>, %arg6: memref<768x1xf32, #tpu.memory_space<vmem>>, %arg7: memref<256x1xf32, #tpu.memory_space<vmem>>, %arg8: memref<256x1xf32, #tpu.memory_space<vmem>>, %arg9: memref<512x1xf32, #tpu.memory_space<vmem>>, %arg10: memref<1x512x1024xf32, #tpu.memory_space<vmem>>) attributes {dimension_semantics = [#tpu.dimension_semantics<arbitrary>], iteration_bounds = array<i64: 16>, scalar_prefetch = 0 : i64, scratch_operands = 0 : i64, tpu.core_type = #tpu.core_type<tc>, window_params = [{transform_indices = @transform_0, window_bounds = array<i64: 1, 512, 1024>}, {transform_indices = @transform_1, window_bounds = array<i64: 1, 1, 1024>}, {pipeline_mode = #tpu.pipeline_mode<synchronous>, transform_indices = @transform_2, window_bounds = array<i64: 256, 512>}, {pipeline_mode = #tpu.pipeline_mode<synchronous>, transform_indices = @transform_3, window_bounds = array<i64: 512, 256>}, {pipeline_mode = #tpu.pipeline_mode<synchronous>, transform_indices = @transform_4, window_bounds = array<i64: 256, 768>}, {pipeline_mode = #tpu.pipeline_mode<synchronous>, transform_indices = @transform_5, window_bounds = array<i64: 768, 1>}, {pipeline_mode = #tpu.pipeline_mode<synchronous>, transform_indices = @transform_6, window_bounds = array<i64: 256, 1>}, {pipeline_mode = #tpu.pipeline_mode<synchronous>, transform_indices = @transform_7, window_bounds = array<i64: 256, 1>}, {pipeline_mode = #tpu.pipeline_mode<synchronous>, transform_indices = @transform_8, window_bounds = array<i64: 512, 1>}, {transform_indices = @transform_9, window_bounds = array<i64: 1, 512, 1024>}]} {
    %get3A = arith.constant 0 : index
    %get3A_0 = arith.constant 0 : index
    %get3A_1 = arith.constant 0 : index
    %get3A_2 = vector.load %arg1[%get3A, %get3A_0, %get3A_1] : memref<1x512x1024xf32, #tpu.memory_space<vmem>>, vector<1x512x1024xf32>
    %get3A_3 = vector.shape_cast %get3A_2 : vector<1x512x1024xf32> to vector<512x1024xf32>
    %get3A_4 = arith.constant 0 : index
    %get3A_5 = arith.constant 0 : index
    %get3A_6 = arith.constant 0 : index
    %get3A_7 = vector.load %arg2[%get3A_4, %get3A_5, %get3A_6] : memref<1x1x1024xf32, #tpu.memory_space<vmem>>, vector<1x1x1024xf32>
    %get3A_8 = vector.shape_cast %get3A_7 : vector<1x1x1024xf32> to vector<1x1024xf32>
    %get3A_9 = arith.constant 0 : index
    %get3A_10 = arith.constant 0 : index
    %get3A_11 = vector.load %arg5[%get3A_9, %get3A_10] : memref<256x768xf32, #tpu.memory_space<vmem>>, vector<256x768xf32>
    %get3A_12 = arith.constant 0 : index
    %get3A_13 = arith.constant 0 : index
    %get3A_14 = vector.load %arg6[%get3A_12, %get3A_13] : memref<768x1xf32, #tpu.memory_space<vmem>>, vector<768x1xf32>
    %dot_general3A = arith.constant dense<0.000000e+00> : vector<256x1xf32>
    %dot_general3A_15 = tpu.matmul %get3A_11, %get3A_14, %dot_general3A {dimension_numbers = #tpu.dot_dimension_numbers<[1], [0], [0], [1], [0, 0, 1, 1], [], []>, transpose_lhs_hint = false} : vector<256x768xf32>, vector<768x1xf32>, vector<256x1xf32> -> vector<256x1xf32>
    %get3A_16 = arith.constant 0 : index
    %get3A_17 = arith.constant 0 : index
    %get3A_18 = vector.load %arg8[%get3A_16, %get3A_17] : memref<256x1xf32, #tpu.memory_space<vmem>>, vector<256x1xf32>
    %add3A = arith.addf %dot_general3A_15, %get3A_18 : vector<256x1xf32>
    %get3A_19 = arith.constant 0 : index
    %get3A_20 = arith.constant 0 : index
    %get3A_21 = vector.load %arg7[%get3A_19, %get3A_20] : memref<256x1xf32, #tpu.memory_space<vmem>>, vector<256x1xf32>
    %add3A_22 = arith.addf %add3A, %get3A_21 : vector<256x1xf32>
    %get3A_23 = arith.constant 0 : index
    %get3A_24 = arith.constant 0 : index
    %get3A_25 = vector.load %arg3[%get3A_23, %get3A_24] : memref<256x512xf32, #tpu.memory_space<vmem>>, vector<256x512xf32>
    %convert_element_type3A = arith.truncf %get3A_25 : vector<256x512xf32> to vector<256x512xbf16>
    %convert_element_type3A_26 = arith.truncf %get3A_3 : vector<512x1024xf32> to vector<512x1024xbf16>
    %dot_general3A_27 = arith.constant dense<0.000000e+00> : vector<256x1024xf32>
    %dot_general3A_28 = tpu.matmul %convert_element_type3A, %convert_element_type3A_26, %dot_general3A_27 {dimension_numbers = #tpu.dot_dimension_numbers<[1], [0], [0], [1], [0, 0, 1, 1], [], []>, transpose_lhs_hint = false} : vector<256x512xbf16>, vector<512x1024xbf16>, vector<256x1024xf32> -> vector<256x1024xf32>
    %add3A_29 = vector.broadcast %add3A_22 : vector<256x1xf32> to vector<256x1024xf32>
    %add3A_30 = arith.addf %dot_general3A_28, %add3A_29 : vector<256x1024xf32>
    %get3A_31 = arith.constant 0 : index
    %get3A_32 = arith.constant 0 : index
    %get3A_33 = vector.load %arg4[%get3A_31, %get3A_32] : memref<512x256xf32, #tpu.memory_space<vmem>>, vector<512x256xf32>
    %convert_element_type3A_34 = arith.truncf %get3A_33 : vector<512x256xf32> to vector<512x256xbf16>
    %convert_element_type3A_35 = arith.truncf %add3A_30 : vector<256x1024xf32> to vector<256x1024xbf16>
    %dot_general3A_36 = arith.constant dense<0.000000e+00> : vector<512x1024xf32>
    %dot_general3A_37 = tpu.matmul %convert_element_type3A_34, %convert_element_type3A_35, %dot_general3A_36 {dimension_numbers = #tpu.dot_dimension_numbers<[1], [0], [0], [1], [0, 0, 1, 1], [], []>, transpose_lhs_hint = false} : vector<512x256xbf16>, vector<256x1024xbf16>, vector<512x1024xf32> -> vector<512x1024xf32>
    %get3A_38 = arith.constant 0 : index
    %get3A_39 = arith.constant 0 : index
    %get3A_40 = vector.load %arg9[%get3A_38, %get3A_39] : memref<512x1xf32, #tpu.memory_space<vmem>>, vector<512x1xf32>
    %add3A_41 = vector.broadcast %get3A_40 : vector<512x1xf32> to vector<512x1024xf32>
    %add3A_42 = arith.addf %dot_general3A_37, %add3A_41 : vector<512x1024xf32>
    %gt3A = arith.constant 0.000000e+00 : f32
    %gt3A_43 = vector.broadcast %gt3A : f32 to vector<1x1024xf32>
    %gt3A_44 = arith.cmpf ogt, %get3A_8, %gt3A_43 : vector<1x1024xf32>
    %broadcast_in_dim3A = vector.shape_cast %gt3A_44 : vector<1x1024xi1> to vector<1x1024xi1>
    %broadcast_in_dim3A_45 = vector.broadcast %broadcast_in_dim3A : vector<1x1024xi1> to vector<512x1024xi1>
    %select_n3A = arith.select %broadcast_in_dim3A_45, %add3A_42, %get3A_3 : vector<512x1024xi1>, vector<512x1024xf32>
    %swap3A = arith.constant 0 : index
    %swap3A_46 = arith.constant 0 : index
    %swap3A_47 = arith.constant 0 : index
    %swap3A_48 = vector.load %arg10[%swap3A, %swap3A_46, %swap3A_47] : memref<1x512x1024xf32, #tpu.memory_space<vmem>>, vector<1x512x1024xf32>
    %swap3A_49 = vector.shape_cast %swap3A_48 : vector<1x512x1024xf32> to vector<512x1024xf32>
    %swap3A_50 = vector.shape_cast %select_n3A : vector<512x1024xf32> to vector<1x512x1024xf32>
    tpu.vector_store %arg10[%swap3A, %swap3A_46, %swap3A_47], %swap3A_50 {strides = array<i32>} : memref<1x512x1024xf32, #tpu.memory_space<vmem>>, vector<1x512x1024xf32>,
    return
  }
  func.func @transform_0(%arg0: i32) -> (i32, i32, i32) {
    %c0_i32 = arith.constant 0 : i32
    %c0_i32_0 = arith.constant 0 : i32
    %c0_i32_1 = arith.constant 0 : i32
    return %arg0, %c0_i32, %c0_i32_0 : i32, i32, i32
  }
  func.func @transform_1(%arg0: i32) -> (i32, i32, i32) {
    %c0_i32 = arith.constant 0 : i32
    %c0_i32_0 = arith.constant 0 : i32
    %c0_i32_1 = arith.constant 0 : i32
    return %arg0, %c0_i32, %c0_i32_0 : i32, i32, i32
  }
  func.func @transform_2(%arg0: i32) -> (i32, i32) {
    %c0_i32 = arith.constant 0 : i32
    %c0_i32_0 = arith.constant 0 : i32
    %c0_i32_1 = arith.constant 0 : i32
    return %c0_i32, %c0_i32_0 : i32, i32
  }
  func.func @transform_3(%arg0: i32) -> (i32, i32) {
    %c0_i32 = arith.constant 0 : i32
    %c0_i32_0 = arith.constant 0 : i32
    %c0_i32_1 = arith.constant 0 : i32
    return %c0_i32, %c0_i32_0 : i32, i32
  }
  func.func @transform_4(%arg0: i32) -> (i32, i32) {
    %c0_i32 = arith.constant 0 : i32
    %c0_i32_0 = arith.constant 0 : i32
    %c0_i32_1 = arith.constant 0 : i32
    return %c0_i32, %c0_i32_0 : i32, i32
  }
  func.func @transform_5(%arg0: i32) -> (i32, i32) {
    %c0_i32 = arith.constant 0 : i32
    %c0_i32_0 = arith.constant 0 : i32
    %c0_i32_1 = arith.constant 0 : i32
    return %c0_i32, %c0_i32_0 : i32, i32
  }
  func.func @transform_6(%arg0: i32) -> (i32, i32) {
    %c0_i32 = arith.constant 0 : i32
    %c0_i32_0 = arith.constant 0 : i32
    %c0_i32_1 = arith.constant 0 : i32
    return %c0_i32, %c0_i32_0 : i32, i32
  }
  func.func @transform_7(%arg0: i32) -> (i32, i32) {
    %c0_i32 = arith.constant 0 : i32
    %c0_i32_0 = arith.constant 0 : i32
    %c0_i32_1 = arith.constant 0 : i32
    return %c0_i32, %c0_i32_0 : i32, i32
  }
  func.func @transform_8(%arg0: i32) -> (i32, i32) {
    %c0_i32 = arith.constant 0 : i32
    %c0_i32_0 = arith.constant 0 : i32
    %c0_i32_1 = arith.constant 0 : i32
    return %c0_i32, %c0_i32_0 : i32, i32
  }
  func.func @transform_9(%arg0: i32) -> (i32, i32, i32) {
    %c0_i32 = arith.constant 0 : i32
    %c0_i32_0 = arith.constant 0 : i32
    %c0_i32_1 = arith.constant 0 : i32
    return %arg0, %c0_i32, %c0_i32_0 : i32, i32, i32
  }
}

</mosaic_0001>

<sc_bundles>
// kernel: kernel.5.cloned.1.call-start
scs
__scs_entry_jumppad:
0x0: {  	(pc) =	sbr.rel $0x88, $3  }
0x1: {  	(tag) =	ssettag $0x0;
	lr =	simm.s32 $0x1  }
0x2: {  	[smem:$0x3F97] =	sst lr;
	_ =	strace $0xD0000000  }
0x3: {  	_ = 	snop  }
0x4: {  	_ = 	snop  }
0x5: {  	_ = 	snop  }
0x6: {  	_ = 	snop  }
0x7: {  	_ = 	snop  }
__scs_overlays_trampoline_lowered:
0x8: {  	[smem:$0x3FA6] =	sst s0  }
0x9: {  	[smem:$0x3FA7] =	sst s1  }
0xa: {  	[smem:$0x3FA8] =	sst s2  }
0xb: {  	[smem:$0x3FA9] =	sst s3  }
0xc: {  	[smem:$0x3FAA] =	sst s4  }
0xd: {  	[smem:$0x3FAB] =	sst s5  }
0xe: {  	[smem:$0x3FAC] =	sst s6  }
0xf: {  	[smem:$0x3FAD] =	sst s7  }
0x10: {  	[smem:$0x3FAE] =	sst s8  }
0x11: {  	[smem:$0x3FAF] =	sst s9;
	s0 =	simm.s32 @!p0 $0x0  }
0x12: {  	s1 =	sld [smem:$0x3F95];
	s0 =	simm.s32 @p0 $0x1  }
0x13: {  	[smem:$0x3FB0] =	sst s0;
	s0 =	simm.s32 @!p1 $0x0  }
0x14: {  	s2 =	sld [smem:$0x3F94];
	s0 =	simm.s32 @p1 $0x1  }
0x15: {  	[smem:$0x3FB1] =	sst s0;
	s0 =	simm.s32 @!p2 $0x0  }
0x16: {  	s3 =	sld [smem:$0x3FDB];
	s0 =	simm.s32 @p2 $0x1  }
0x17: {  	s4 =	simm.s32 $0x1BF5;
	[smem:$0x3FB3] =	sst s0  }
0x18: {  	s0 =	sld [smem:$0x3F96];
	_ =	swait.ge [sflag:s4], $0x0  }
0x19: {  	s7 =	sld [smem:$0x3F97]  }
0x1a: {  	s8 =	sadd.s32 $0xFFFFE003, lr  }
0x1b: {  	s9 =	sadd.s32 $0xFFFFFEF7, lr;
	s5 =	simm.s32 $0xFFFFFFFF;
	p2 =	slt.u32 s8, $0xFFFFF086  }
0x1c: {  	p1 =	slt.u32 s9, $0xF7A;
	s5 =	simm.s32 @!p2 $0x0  }
0x1d: {  	s5 =	simm.s32 @p1 $0x1;
	p0 =	seq.s32 s7, s2  }
0x1e: {  	s7 =	smul.u32 @!p0 $0xF7A, s2;
	p2 =	seq.s32 @!p0 s5, $0x0  }
0x1f: {  	s9 =	smul.u32 $0xF7A, s1;
	s8 =	simm.s32 @!p0 $0x1BF5;
	p2 =	por !p2, p0  }
0x20: {  	[sflag:s8] =	ssyncset.s32 @!p0 $0xFFFFF086;
	s6 =	sadd.s32 @!p0 s3, s7;
	s7 =	simm.s32 @!p0 $0x108  }
0x21: {  	s3 =	sadd.s32 s3, s9;
	s6 =	sadd.s32 @!p0 $0x88, s6;
	s7 =	simm.s32 @p2 $0x1082  }
0x22: {  	[simem:s7], [sflag:s8] =	dma.local @!p0 [hbm:s6], $0xF7A  }
0x23: {  	s9 =	sor.u32 $0xD0000000, s2;
	s6 =	simm.s32 $0x108;
	_ =	swait.ge @!p0 [sflag:s8], $0x0  }
0x24: {  	s3 =	sadd.s32 $0x88, s3;
	s6 =	simm.s32 @!p1 $0x1082;
	[sflag:s4] =	ssyncset.s32 $0xFFFFF086  }
0x25: {  	[simem:s6], [sflag:s4] =	dma.local [hbm:s3], $0xF7A  }
0x26: {  	[smem:$0x3F97] =	sst s1;
	(tag) =	ssettag s2;
	_ =	strace s9  }
0x27: {  	s1 =	sld [smem:$0x3FA7]  }
0x28: {  	s2 =	sld [smem:$0x3FA8]  }
0x29: {  	s4 =	sld [smem:$0x3FAA]  }
0x2a: {  	p0 =	seq.s32 s5, $0x0;
	s5 =	sld [smem:$0x3FAB]  }
0x2b: {  	s6 =	sld [smem:$0x3FAC]  }
0x2c: {  	s7 =	sld [smem:$0x3FAD]  }
0x2d: {  	s3 =	simm.s32 $0x108;
	s8 =	sld [smem:$0x3FAE]  }
0x2e: {  	s3 =	simm.s32 @!p0 $0x1082;
	s9 =	sld [smem:$0x3FAF]  }
0x2f: {  	lr =	sadd.s32 s0, s3;
	s0 =	sld [smem:$0x3FA6]  }
0x30: {  	s3 =	sld [smem:$0x3FA9]  }
0x31: {  	[smem:$0x3FB2] =	sst s10  }
0x32: {  	s10 =	sld [smem:$0x3FB0];
	_ =	sdelay $0x3  }
0x33: {  	p0 =	seq.s32 s10, $0x1;
	s10 =	sld [smem:$0x3FB2];
	_ =	sdelay $0x3  }
0x34: {  	[smem:$0x3FB2] =	sst s10  }
0x35: {  	s10 =	sld [smem:$0x3FB1];
	_ =	sdelay $0x3  }
0x36: {  	p1 =	seq.s32 s10, $0x1;
	s10 =	sld [smem:$0x3FB2];
	_ =	sdelay $0x3  }
0x37: {  	[smem:$0x3FB2] =	sst s10  }
0x38: {  	s10 =	sld [smem:$0x3FB3]  }
0x39: {  	_ = 	snop;
	(pc) =	sbr.ind lr, $3  }
0x3a: {  	_ = 	snop  }
0x3b: {  	_ = 	snop  }
0x3c: {  	p2 =	seq.s32 s10, $0x1;
	s10 =	sld [smem:$0x3FB2]  }
0x3d: {  	_ =	shalt  }
0x3e: {  	_ =	shalt  }
0x3f: {  	_ =	shalt  }
0x40: {  	_ =	shalt  }
0x41: {  	_ =	shalt  }
0x42: {  	_ =	shalt  }
0x43: {  	_ =	shalt  }
0x44: {  	_ =	shalt  }
0x45: {  	_ =	shalt  }
0x46: {  	_ =	shalt  }
0x47: {  	_ =	shalt  }
0x48: {  	_ =	shalt  }
0x49: {  	_ =	shalt  }
0x4a: {  	_ =	shalt  }
0x4b: {  	_ =	shalt  }
0x4c: {  	_ =	shalt  }
0x4d: {  	_ =	shalt  }
0x4e: {  	_ =	shalt  }
0x4f: {  	_ =	shalt  }
0x50: {  	_ =	shalt  }
0x51: {  	_ =	shalt  }
0x52: {  	_ =	shalt  }
0x53: {  	_ =	shalt  }
0x54: {  	_ =	shalt  }
0x55: {  	_ =	shalt  }
0x56: {  	_ =	shalt  }
0x57: {  	_ =	shalt  }
0x58: {  	_ =	shalt  }
0x59: {  	_ =	shalt  }
0x5a: {  	_ =	shalt  }
0x5b: {  	_ =	shalt  }
0x5c: {  	_ =	shalt  }
0x5d: {  	_ =	shalt  }
0x5e: {  	_ =	shalt  }
0x5f: {  	_ =	shalt  }
0x60: {  	_ =	shalt  }
0x61: {  	_ =	shalt  }
0x62: {  	_ =	shalt  }
0x63: {  	_ =	shalt  }
0x64: {  	_ =	shalt  }
0x65: {  	_ =	shalt  }
0x66: {  	_ =	shalt  }
0x67: {  	_ =	shalt  }
0x68: {  	_ =	shalt  }
0x69: {  	_ =	shalt  }
0x6a: {  	_ =	shalt  }
0x6b: {  	_ =	shalt  }
0x6c: {  	_ =	shalt  }
0x6d: {  	_ =	shalt  }
0x6e: {  	_ =	shalt  }
0x6f: {  	_ =	shalt  }
0x70: {  	_ =	shalt  }
0x71: {  	_ =	shalt  }
0x72: {  	_ =	shalt  }
0x73: {  	_ =	shalt  }
0x74: {  	_ =	shalt  }
0x75: {  	_ =	shalt  }
0x76: {  	_ =	shalt  }
0x77: {  	_ =	shalt  }
0x78: {  	_ =	shalt  }
0x79: {  	_ =	shalt  }
0x7a: {  	_ =	shalt  }
0x7b: {  	_ =	shalt  }
0x7c: {  	_ =	shalt  }
0x7d: {  	_ =	shalt  }
0x7e: {  	_ =	shalt  }
0x7f: {  	_ =	shalt  }
0x80: {  	_ =	shalt  }
0x81: {  	_ =	shalt  }
0x82: {  	_ =	shalt  }
0x83: {  	_ =	shalt  }
0x84: {  	_ =	shalt  }
0x85: {  	_ =	shalt  }
0x86: {  	_ =	shalt  }
0x87: {  	_ =	shalt  }
.Lfunc_end0:
.L_simem_size_0:
called_computation_lowered:
.L_overlay_start_0:
0x88: {  	s2 =	sld [smem:$0x3FD9]  }
0x89: {  	s3 =	sld [smem:$0x3FFE];
	_ =	sdelay $0x1  }
0x8a: {  	s1 =	srdreg.scid  }
0x8b: {  	s0 =	sand.u32 $0x1, s1  }
0x8c: {  	s16 =	sshll.u32 s0, $0xA;
	s2 =	sadd.s32 s3, s2  }
0x8d: {  	s2 =	sadd.s32 s2, s16  }
0x8e: {  	[smem:$0x3FBE] =	sst s2  }
0x8f: {  	_ = 	snop  }
0x90: {  	(tm) =	ssettm $0x1  }
0x91: {  	s17 =	sld [smem:$0x3FFB];
	_ =	sdelay $0x3  }
0x92: {  	_ =	strace s17  }
0x93: {  	s2 =	sld [smem:$0x3FFC];
	_ =	sdelay $0x3  }
0x94: {  	_ =	strace s2  }
0x95: {  	s2 =	sld [smem:$0x3FFD];
	_ =	sdelay $0x3  }
0x96: {  	_ =	strace s2  }
0x97: {  	_ =	strace $0x8FFFFFFF  }
0x98: {  	s18 =	sld [smem:$0x3FDB];
	_ =	sdelay $0x1  }
0x99: {  	s19 =	simm.s32 $_scs_section_size  }
0x9a: {  	s4 =	simm.s32 $_size__tile_overlayer_lowered;
	s5 =	simm.s32 $_tile_overlayer_lowered  }
0x9b: {  	s22 =	simm.s32 $0x1BFF;
	s21 =	sshll.u32 s5, $0x1;
	s2 =	sadd.s32 s19, s18  }
0x9c: {  	s6 =	simm.s32 $0x0;
	s20 =	sshll.u32 s4, $0x1;
	s4 =	sadd.s32 s21, s2  }
0x9d: {  	[timem:s6], [sflag:s22] =	dma.local [hbm:s4], s20  }
0x9e: {  	_ =	swait.ge [sflag:s22], s20  }
0x9f: {  	s3 =	ssub.s32 $0x0, s20;
	[sflag:s22] =	ssyncset.done $0x0  }
0xa0: {  	[sflag:s22] =	ssyncadd.s32 s3;
	_ =	sdelay $0x1  }
0xa1: {  	s23 =	simm.s32 $0x1B8B  }
0xa2: {  	_ =	swait.ge [sflag:s23], $0x1  }
0xa3: {  	[sflag:s23] =	ssyncset.done $0x0  }
0xa4: {  	s25 =	simm.s32 $0x1B8E;
	s24 =	sld [smem:$0x3FFE];
	[sflag:s23] =	ssyncadd.s32 $0xFFFFFFFF  }
0xa5: {  	s26 =	simm.s32 $execute0_lowered;
	[smem:$0x3FD2] =	sst s25  }
0xa6: {  	s4 =	sshll.u32 s26, $0x1;
	_ =	strace $0x80000046;
	[dreg:$0x1] =	wrdreg $0xFFFFFFFF  }
0xa7: {  	s28 =	simm.s32 $_size_execute0_lowered;
	s2 =	sadd.s32 s2, s4;
	[dreg:$0x0] =	wrdreg $0x0  }
0xa8: {  	s4 =	sshll.u32 s28, $0x1;
	[dreg:$0x2] =	wrdreg s2  }
0xa9: {  	[dreg:$0x3] =	wrdreg s4  }
0xaa: {  	[dreg:$0x4] =	wrdreg $0xC0  }
0xab: {  	_ =	task [dreg:s6], $0x5FFFF  }
0xac: {  	[dreg:$0x1] =	wrdreg $0xFFFFFFFF  }
0xad: {  	[dreg:$0x0] =	wrdreg $0x60  }
0xae: {  	[dreg:$0x2] =	wrdreg s24  }
0xaf: {  	[dreg:$0x3] =	wrdreg $0x9  }
0xb0: {  	_ =	task.clear_ibuf [dreg:s6], $0x4FFFF;
	_ =	strace $0x90000046  }
0xb1: {  	s29 =	simm.s32 $0x9;
	_ =	strace $0x80000048  }
0xb2: {  	_ =	swait.ge [sflag:s29], $0x1  }
0xb3: {  	[sflag:s29] =	ssyncadd.s32 $0xFFFFFFFF  }
0xb4: {  	_ =	strace $0x90000048  }
0xb5: {  	_ =	sfence  }
0xb6: {  	s30 =	sld [smem:$0x0];
	_ =	sdelay $0x2  }
0xb7: {  	s31 =	sshll.u32 s1, $0xD;
	s1 =	sshrl.u32 s1, $0x2  }
0xb8: {  	s3 =	sand.u32 $0x4000, s31;
	s1 =	sadd.s32 s1, s30  }
0xb9: {  	s0 =	sor.u32 s3, s0;
	s1 =	sshll.u32 s1, $0x11  }
0xba: {  	s0 =	sor.u32 s1, s0  }
0xbb: {  	s0 =	sadd.s32 $0x8F2B, s0  }
0xbc: {  	[sflag:s0] =	ssyncadd.remote.s32 $0x1  }
0xbd: {  	_ =	sfence.sel $0xFFFF  }
0xbe: {  	[dreg:$0x0] =	wrdreg $0xFFFFFFFF;
	(pc) =	sbr.abs _section_cstart, $3  }
0xbf: {  	[dreg:$0x1] =	wrdreg $0xFFFFFFFF  }
0xc0: {  	_ =	task.clear_ibuf [dreg:s6], $0x2FFFF;
	_ =	strace $0x9FFFFFFF  }
0xc1: {  	(tm) =	ssettm $0x7FFFFFFF  }
tec
execute0_lowered:
.L_overlay_start_1:
0x0: {  	(tag) =	ssettag $0x1  }
0x1: {  	s1 =	stileid.u32  }
0x2: {  	p0 =	sgt.u32 s1, $0x7  }
.Ltmp0:
0x3: {  	_ = 	snop;
	(pc) =	sbr.rel @p0 .LBB2_13-.Ltmp0, $4  }
0x4: {  	_ = 	snop  }
0x5: {  	s3 =	rddreg [dreg:$0x0];
	s2 =	simm.s32 $0x0  }
0x6: {  	[smem:$0x7FF] =	sst s2  }
0x7: {  	s0 =	rddreg [dreg:$0x1];
	_ =	strace $0x80000047  }
0x8: {  	s4 =	srdreg.scid;
	s5 =	sshll.u32 s1, $0x5;
	s6 =	sshll.u32 s1, $0x8  }
0x9: {  	s8 =	sadd.s32 $0x1400, s3;
	s9 =	simm.s32 $0x800;
	s4 =	sand.u32 $0x1, s4  }
0xa: {  	s5 =	sand.u32 $0x60, s5;
	s7 =	sshll.u32 s4, $0x4;
	s4 =	ssub.s32 $0x2, s4  }
0xb: {  	s6 =	sand.u32 $0x400, s6;
	s5 =	sor.u32 s7, s5;
	s30 =	sshrl.u32 s4, $0x1  }
0xc: {  	s7 =	simm.s32 $0x400;
	s5 =	sor.u32 s6, s5;
	s31 =	ssub.s32 s4, s30  }
0xd: {  	s6 =	sadd.s32 s5, s3;
	s4 =	sadd.s32 s8, s5;
	s5 =	smax.u32 s31, $0x1  }
0xe: {  	v0 =	vimm.s32 $0xFFFFFFFF;
	v1 =	vimm.s32 $0x0;
	v2 =	vimm.f32 $0.0e+00;
	s8 =	simm.s32 $0x1;
	s3 =	sadd.s32 $0x1C00, s6;
	s6 =	simm.s32 $0x80  }
.LBB2_2:
0xf: {  	s10 =	simm.s32 $0x0  }
0x10: {  	[tilespmem:s10], [sflag:$0x1] =	stream.strided.gather [hbm4b:s4+s6], $0x400, s7, s6, $0x38;
	[tilespmem:$0xF00] =	vst v63  }
0x11: {  	_ =	swait.ge [sflag:s8], $0x400  }
0x12: {  	[sflag:s8] =	ssyncset.done $0x0  }
0x13: {  	s10 =	simm.s32 $0x0;
	[sflag:s8] =	ssyncadd.s32 $0xFFFFFC00  }
0x14: {  	s11 =	simm.s32 $0x40;
	v3 =	vld [tilespmem:s10+$0x0]  }
.LBB2_3:
0x15: {  	p0 =	sne.s32 s11, $0xFC0  }
.Ltmp1:
0x16: {  	_ = 	snop;
	(pc) =	sbr.rel @p0 .LBB2_3-.Ltmp1, $3  }
0x17: {  	_ =	sdelay $0x1  }
0x18: {  	[tilespmem:s10+$0x400] =	vst v3;
	s10 =	sshra.s32 s11, $0x2;
	s11 =	sadd.s32 $0x40, s11  }
0x19: {  	v3 =	vld [tilespmem:s10+$0x0]  }
0x1a: {  	_ =	sdelay $0x3  }
0x1b: {  	[tilespmem:s10+$0x400] =	vst v3  }
0x1c: {  	v3 =	vimm.s32 $0x40000000;
	[tilespmem:$0xD00] =	vst v0  }
0x1d: {  	s10 =	simm.s32 $0x0;
	[tilespmem:$0xD80] =	vst v3  }
.LBB2_5:
0x1e: {  	v4 =	vld [tilespmem:$0xD00];
	_ =	sdelay $0x4  }
0x1f: {  	v5 =	vsub.s32 v3, v4  }
0x20: {  	v5 =	vshra.s32 v5, $0x1  }
0x21: {  	v5 =	vadd.s32 v4, v5  }
0x22: {  	[tilespmem:$0xC80] =	vst v5;
	v5 =	vimm.s32 $0x0  }
0x23: {  	s12 =	simm.s32 $0x0;
	s11 =	simm.s32 $0x40;
	[tilespmem:$0xC00] =	vst v5;
	v6 =	vld [tilespmem:$0xC80]  }
.LBB2_6:
0x24: {  	p0 =	sne.s32 s11, $0xFC0;
	v7 =	vld [tilespmem:s12+$0x400];
	_ =	sdelay $0x3  }
.Ltmp2:
0x25: {  	(pc) =	sbr.rel @p0 .LBB2_6-.Ltmp2, $4  }
0x26: {  	vm0 =	vgt.s32 v7, v6  }
0x27: {  	v6 =	vsel vm0, $0x1, v1  }
0x28: {  	v5 =	vadd.s32 v6, v5  }
0x29: {  	s12 =	sshra.s32 s11, $0x2;
	s11 =	sadd.s32 $0x40, s11;
	v6 =	vld [tilespmem:$0xC80];
	[tilespmem:$0xC00] =	vst v5  }
0x2a: {  	v7 =	vld [tilespmem:s12+$0x400];
	_ =	sdelay $0x4  }
0x2b: {  	vm0 =	vgt.s32 v7, v6  }
0x2c: {  	v6 =	vsel vm0, $0x1, v1  }
0x2d: {  	v5 =	vadd.s32 v6, v5  }
0x2e: {  	[tilespmem:$0xC00] =	vst v5  }
0x2f: {  	v59 =	vld [tilespmem:$0xC00];
	_ =	sdelay $0x3  }
0x30: {  	[tilespmem:$0xE80] =	vst v5  }
0x31: {  	[tilespmem:$0xE90] =	vst v59  }
0x32: {  	v6 =	vld [tilespmem:$0xE88];
	_ =	sdelay $0x4  }
0x33: {  	v5 =	vadd.s32 v5, v6  }
0x34: {  	[tilespmem:$0xE80] =	vst v5  }
0x35: {  	[tilespmem:$0xE90] =	vst v5  }
0x36: {  	v60 =	vld [tilespmem:$0xE84];
	_ =	sdelay $0x4  }
0x37: {  	v5 =	vadd.s32 v5, v60  }
0x38: {  	[tilespmem:$0xE80] =	vst v5  }
0x39: {  	[tilespmem:$0xE90] =	vst v5  }
0x3a: {  	v61 =	vld [tilespmem:$0xE82];
	_ =	sdelay $0x4  }
0x3b: {  	v5 =	vadd.s32 v5, v61  }
0x3c: {  	[tilespmem:$0xE80] =	vst v5  }
0x3d: {  	[tilespmem:$0xE90] =	vst v5  }
0x3e: {  	v62 =	vld [tilespmem:$0xE81];
	_ =	sdelay $0x1  }
0x3f: {  	v63 =	vld [tilespmem:$0xC80]  }
0x40: {  	s10 =	sadd.s32 $0x1, s10  }
0x41: {  	p0 =	sne.s32 s10, $0x1F  }
.Ltmp3:
0x42: {  	v5 =	vadd.s32 v5, v62;
	(pc) =	sbr.rel @p0 .LBB2_5-.Ltmp3, $4  }
0x43: {  	[tilespmem:$0xE80] =	vst v5;
	vm15 =	vlt.s32 v5, $0x64  }
0x44: {  	[tilespmem:$0xE90] =	vst v5;
	v4 =	vsel vm15, v4, v63  }
0x45: {  	v3 =	vsel vm15, v63, v3;
	[tilespmem:$0xD00] =	vst v4  }
0x46: {  	[tilespmem:$0xD80] =	vst v3  }
0x47: {  	[tilespmem:$0xC80] =	vst v3;
	v3 =	vimm.s32 $0x0  }
0x48: {  	s11 =	simm.s32 $0x0;
	s10 =	simm.s32 $0x40;
	[tilespmem:$0xC00] =	vst v3;
	v4 =	vld [tilespmem:$0xC80]  }
.LBB2_9:
0x49: {  	p0 =	sne.s32 s10, $0xFC0;
	v5 =	vld [tilespmem:s11+$0x400];
	_ =	sdelay $0x3  }
.Ltmp4:
0x4a: {  	(pc) =	sbr.rel @p0 .LBB2_9-.Ltmp4, $4  }
0x4b: {  	vm0 =	vgt.s32 v5, v4  }
0x4c: {  	v4 =	vsel vm0, $0x1, v1  }
0x4d: {  	v3 =	vadd.s32 v4, v3  }
0x4e: {  	s11 =	sshra.s32 s10, $0x2;
	s10 =	sadd.s32 $0x40, s10;
	v4 =	vld [tilespmem:$0xC80];
	[tilespmem:$0xC00] =	vst v3  }
0x4f: {  	v5 =	vld [tilespmem:s11+$0x400];
	_ =	sdelay $0x4  }
0x50: {  	vm0 =	vgt.s32 v5, v4  }
0x51: {  	v4 =	vsel vm0, $0x1, v1  }
0x52: {  	v3 =	vadd.s32 v4, v3  }
0x53: {  	[tilespmem:$0xC00] =	vst v3  }
0x54: {  	v4 =	vld [tilespmem:$0xC00];
	_ =	sdelay $0x3  }
0x55: {  	[tilespmem:$0xE80] =	vst v3  }
0x56: {  	[tilespmem:$0xE90] =	vst v4  }
0x57: {  	v4 =	vld [tilespmem:$0xE88];
	_ =	sdelay $0x4  }
0x58: {  	v3 =	vadd.s32 v3, v4  }
0x59: {  	[tilespmem:$0xE80] =	vst v3  }
0x5a: {  	[tilespmem:$0xE90] =	vst v3  }
0x5b: {  	v4 =	vld [tilespmem:$0xE84];
	_ =	sdelay $0x4  }
0x5c: {  	v3 =	vadd.s32 v3, v4  }
0x5d: {  	[tilespmem:$0xE80] =	vst v3  }
0x5e: {  	[tilespmem:$0xE90] =	vst v3  }
0x5f: {  	v4 =	vld [tilespmem:$0xE82];
	_ =	sdelay $0x4  }
0x60: {  	v3 =	vadd.s32 v3, v4  }
0x61: {  	[tilespmem:$0xE80] =	vst v3  }
0x62: {  	[tilespmem:$0xE90] =	vst v3  }
0x63: {  	v4 =	vld [tilespmem:$0xE81];
	_ =	sdelay $0x4  }
0x64: {  	[tilespmem:$0xC00] =	vst v1;
	v3 =	vadd.s32 v3, v4  }
0x65: {  	[tilespmem:$0xE80] =	vst v3  }
0x66: {  	[tilespmem:$0xE90] =	vst v3;
	v3 =	vsub.s32 $0x64, v3  }
0x67: {  	s10 =	simm.s32 $0x0;
	[tilespmem:$0xE00] =	vst v3;
	v3 =	vld [tilespmem:$0xC80]  }
0x68: {  	v4 =	vld [tilespmem:s10+$0x400];
	_ =	sdelay $0x4  }
0x69: {  	vm14 =	veq.s32 v4, v3  }
0x6a: {  	[tilespmem:$0xE80] =	vst v1;
	v5 =	vsel vm14, $0x1, v1  }
0x6b: {  	[tilespmem:$0xE81] =	vst v5  }
0x6c: {  	v6 =	vld [tilespmem:$0xE80];
	_ =	sdelay $0x4  }
0x6d: {  	[tilespmem:$0xE80] =	vst v1;
	v5 =	vadd.s32 v5, v6  }
0x6e: {  	[tilespmem:$0xE82] =	vst v5  }
0x6f: {  	v6 =	vld [tilespmem:$0xE80];
	_ =	sdelay $0x4  }
0x70: {  	[tilespmem:$0xE80] =	vst v1;
	v5 =	vadd.s32 v5, v6  }
0x71: {  	[tilespmem:$0xE84] =	vst v5  }
0x72: {  	v6 =	vld [tilespmem:$0xE80];
	_ =	sdelay $0x4  }
0x73: {  	[tilespmem:$0xE80] =	vst v1;
	v5 =	vadd.s32 v5, v6  }
0x74: {  	[tilespmem:$0xE88] =	vst v5  }
0x75: {  	v6 =	vld [tilespmem:$0xE80]  }
0x76: {  	v7 =	vld [tilespmem:$0xC00]  }
0x77: {  	v8 =	vld [tilespmem:$0xE00];
	_ =	sdelay $0x2  }
0x78: {  	v5 =	vadd.s32 v5, v6  }
0x79: {  	v5 =	vadd.s32 v7, v5  }
0x7a: {  	vm1 =	vle.s32 v5, v8  }
0x7b: {  	vm2 =	vgt.s32 v4, v3;
	vm0 =	vmand vm14, vm1  }
0x7c: {  	vm0 =	vmor vm2, vm0  }
0x7d: {  	v3 =	vsel vm0, $0x3F800000, v2  }
0x7e: {  	[tilespmem:s10+$0x800] =	vst v3  }
0x7f: {  	[tilespmem:$0xE80] =	vst v5  }
0x80: {  	[tilespmem:$0xE90] =	vst v5  }
0x81: {  	v3 =	vld [tilespmem:$0xE88];
	_ =	sdelay $0x4  }
0x82: {  	vm15 =	vgt.s32 v5, v3  }
0x83: {  	v3 =	vsel vm15, v5, v3  }
0x84: {  	[tilespmem:$0xE80] =	vst v3  }
0x85: {  	[tilespmem:$0xE90] =	vst v3  }
0x86: {  	v4 =	vld [tilespmem:$0xE84];
	_ =	sdelay $0x4  }
0x87: {  	vm0 =	vgt.s32 v3, v4  }
0x88: {  	v3 =	vsel vm0, v3, v4  }
0x89: {  	[tilespmem:$0xE80] =	vst v3  }
0x8a: {  	[tilespmem:$0xE90] =	vst v3  }
0x8b: {  	v4 =	vld [tilespmem:$0xE82];
	_ =	sdelay $0x4  }
0x8c: {  	vm0 =	vgt.s32 v3, v4  }
0x8d: {  	v3 =	vsel vm0, v3, v4  }
0x8e: {  	[tilespmem:$0xE80] =	vst v3  }
0x8f: {  	[tilespmem:$0xE90] =	vst v3  }
0x90: {  	s10 =	simm.s32 $0x40;
	v4 =	vld [tilespmem:$0xE81]  }
.LBB2_11:
0x91: {  	_ =	sdelay $0x1  }
0x92: {  	p0 =	sne.s32 s10, $0xFC0;
	s11 =	smov.u32 s10;
	s10 =	sadd.s32 $0x40, s10  }
0x93: {  	_ = 	snop  }
0x94: {  	vm0 =	vgt.s32 v3, v4  }
0x95: {  	v3 =	vsel vm0, v3, v4  }
0x96: {  	[tilespmem:$0xC00] =	vst v3  }
0x97: {  	[tilespmem:$0xE80] =	vst v3  }
0x98: {  	s11 =	sshra.s32 s11, $0x2;
	v4 =	vld [tilespmem:$0xC80];
	[tilespmem:$0xE90] =	vst v3  }
0x99: {  	v3 =	vld [tilespmem:s11+$0x400];
	_ =	sdelay $0x4  }
0x9a: {  	vm1 =	veq.s32 v3, v4;
	vm0 =	vgt.s32 v3, v4  }
0x9b: {  	v3 =	vsel vm1, $0x1, v1;
	[tilespmem:$0xE80] =	vst v1  }
0x9c: {  	[tilespmem:$0xE81] =	vst v3  }
0x9d: {  	v4 =	vld [tilespmem:$0xE80];
	_ =	sdelay $0x4  }
0x9e: {  	v3 =	vadd.s32 v3, v4;
	[tilespmem:$0xE80] =	vst v1  }
0x9f: {  	[tilespmem:$0xE82] =	vst v3  }
0xa0: {  	v4 =	vld [tilespmem:$0xE80];
	_ =	sdelay $0x4  }
0xa1: {  	v3 =	vadd.s32 v3, v4;
	[tilespmem:$0xE80] =	vst v1  }
0xa2: {  	[tilespmem:$0xE84] =	vst v3  }
0xa3: {  	v4 =	vld [tilespmem:$0xE80];
	_ =	sdelay $0x4  }
0xa4: {  	v3 =	vadd.s32 v3, v4;
	[tilespmem:$0xE80] =	vst v1  }
0xa5: {  	[tilespmem:$0xE88] =	vst v3  }
0xa6: {  	v4 =	vld [tilespmem:$0xE80]  }
0xa7: {  	v5 =	vld [tilespmem:$0xC00]  }
0xa8: {  	v6 =	vld [tilespmem:$0xE00];
	_ =	sdelay $0x2  }
0xa9: {  	v3 =	vadd.s32 v3, v4  }
0xaa: {  	v3 =	vadd.s32 v5, v3  }
0xab: {  	vm2 =	vle.s32 v3, v6  }
0xac: {  	vm1 =	vmand vm1, vm2  }
0xad: {  	vm0 =	vmor vm0, vm1  }
0xae: {  	v4 =	vsel vm0, $0x3F800000, v2  }
0xaf: {  	[tilespmem:s11+$0x800] =	vst v4  }
0xb0: {  	[tilespmem:$0xE80] =	vst v3  }
0xb1: {  	[tilespmem:$0xE90] =	vst v3  }
0xb2: {  	v4 =	vld [tilespmem:$0xE88];
	_ =	sdelay $0x4  }
0xb3: {  	vm0 =	vgt.s32 v3, v4  }
0xb4: {  	v3 =	vsel vm0, v3, v4  }
0xb5: {  	[tilespmem:$0xE80] =	vst v3  }
0xb6: {  	[tilespmem:$0xE90] =	vst v3  }
0xb7: {  	v4 =	vld [tilespmem:$0xE84];
	_ =	sdelay $0x4  }
0xb8: {  	vm0 =	vgt.s32 v3, v4  }
0xb9: {  	v3 =	vsel vm0, v3, v4  }
0xba: {  	[tilespmem:$0xE80] =	vst v3  }
0xbb: {  	[tilespmem:$0xE90] =	vst v3  }
0xbc: {  	v4 =	vld [tilespmem:$0xE82];
	_ =	sdelay $0x4  }
.Ltmp5:
0xbd: {  	vm0 =	vgt.s32 v3, v4;
	(pc) =	sbr.rel @p0 .LBB2_11-.Ltmp5, $4  }
0xbe: {  	v3 =	vsel vm0, v3, v4  }
0xbf: {  	[tilespmem:$0xE80] =	vst v3  }
0xc0: {  	[tilespmem:$0xE90] =	vst v3  }
0xc1: {  	v4 =	vld [tilespmem:$0xE81]  }
0xc2: {  	_ =	sdelay $0x3  }
0xc3: {  	vm0 =	vgt.s32 v3, v4  }
0xc4: {  	v3 =	vsel vm0, v3, v4  }
0xc5: {  	s2 =	sadd.s32 $0x1, s2;
	[tilespmem:$0xC00] =	vst v3  }
0xc6: {  	p0 =	sne.s32 s2, s5;
	[tilespmem:$0xE80] =	vst v3  }
.Ltmp6:
0xc7: {  	[tilespmem:$0xE90] =	vst v3;
	(pc) =	sbr.rel @p0 .LBB2_2-.Ltmp6, $4  }
0xc8: {  	[hbm4b:s3+s6] =	stream.strided.scatter [tilespmem:s9], [sflag:$0x1], $0x400, s7, s6, $0x38;
	[tilespmem:$0xF00] =	vst v63  }
0xc9: {  	_ =	swait.ge [sflag:s8], $0x400  }
0xca: {  	[sflag:s8] =	ssyncset.done $0x0  }
0xcb: {  	[sflag:s8] =	ssyncadd.s32 $0xFFFFFC00  }
.LBB2_13:
0xcc: {  	_ =	sfence.sel $0x180000  }
0xcd: {  	[bflag:$0x0] =	sbarrier.arrive $0xFFFF  }
0xce: {  	p0 =	sne.s32 s1, $0x0;
	_ =	strace $0x90000047  }
0xcf: {  	s0 =	sadd.s32 @!p0 $0x100000, s0;
	[bflag:$0x2] =	sbarrier.arrive $0xFFFF  }
0xd0: {  	[sflag:s0] =	ssyncadd.tile.s32 @!p0 $0x1;
	_ =	shalt  }
.Lfunc_end2:
_tile_overlayer_lowered:
.L_overlay_start_2:
0xd1: {  	(tag) =	ssettag $0x2  }
0xd2: {  	s0 =	rddreg [dreg:$0x0];
	s2 =	stileid.u32  }
0xd3: {  	s1 =	rddreg [dreg:$0x1];
	p0 =	sne.s32 s2, $0x0  }
0xd4: {  	s3 =	rddreg [dreg:$0x2];
	[bflag:$0x3] =	sbarrier.arrive $0xFFFF;
	s2 =	simm.s32 @!p0 $0x1C01  }
0xd5: {  	[timem:s3], [sflag:s2] =	dma.local @!p0 [hbm:s0], s1  }
0xd6: {  	s0 =	simm.s32 @!p0 $0x1  }
0xd7: {  	_ =	swait.ge @!p0 [sflag:s0], s1  }
0xd8: {  	s1 =	ssub.s32 @!p0 $0x0, s1;
	[sflag:s0] =	ssyncset.done @!p0 $0x0  }
0xd9: {  	[sflag:s0] =	ssyncadd.s32 @!p0 s1  }
0xda: {  	[bflag:$0x3] =	sbarrier.arrive $0xFFFF  }
0xdb: {  	_ =	shalt  }

</sc_bundles>
